<compile_context>
chip_gen: v7x
topology: tpu7x:2x2x1
jax: 0.10.2.dev20260603
libtpu: 0.0.44.dev20260713+nightly
codegen_flags: <defaults>
</compile_context>

<pallas_src>
import jax
import jax.numpy as jnp
from jax import lax
from jax.experimental import pallas as pl
from jax.experimental.pallas import tpu as pltpu
from jax.experimental.pallas import tpu_sc as plsc

X, Y, Z = 192, 160, 192
N = 300
NUM_TILES = 16
SLOTS = 19
FULL_SLOTS = 18
REM = N - FULL_SLOTS * NUM_TILES
NPADRR = SLOTS * NUM_TILES
L = 16
G = 3 * X * (Y // 8)
SLOT_STRIDE = 32
CHUNKS = 3 * SLOT_STRIDE
OFF_ML = 3 * NPADRR
OFF_SP = 6 * NPADRR
AUX_W = OFF_SP + 3 * L


def _tre_body(f3_hbm, aux_hbm, out_hbm,
              aux_v, idx_v, buf_v, part_v, all_v, out_v, shared, sem):
    s = lax.axis_index("s")

    pltpu.sync_copy(aux_hbm, aux_v)

    lanes16 = lax.iota(jnp.int32, L)
    fx = [None, None]
    fy = [None, None]
    fz = [None, None]
    mx = [None, None]
    my = [None, None]
    mz = [None, None]
    for q in range(2):
        slots = q * L + lanes16
        idxn = jnp.minimum(slots * NUM_TILES + s, NPADRR - 1)
        fx[q] = plsc.load_gather(aux_v, [idxn])
        fy[q] = plsc.load_gather(aux_v, [idxn + NPADRR])
        fz[q] = plsc.load_gather(aux_v, [idxn + 2 * NPADRR])
        mx[q] = plsc.bitcast(
            plsc.load_gather(aux_v, [idxn + OFF_ML]), jnp.float32)
        my[q] = plsc.bitcast(
            plsc.load_gather(aux_v, [idxn + OFF_ML + NPADRR]), jnp.float32)
        mz[q] = plsc.bitcast(
            plsc.load_gather(aux_v, [idxn + OFF_ML + 2 * NPADRR]),
            jnp.float32)
        idx_v[pl.ds(q * L, L)] = (
            fx[q] * (Y // 8) + jnp.right_shift(fy[q], 3))
        idx_v[pl.ds(SLOT_STRIDE + q * L, L)] = jnp.bitwise_and(fy[q], 7)
        idx_v[pl.ds(2 * SLOT_STRIDE + q * L, L)] = (
            jnp.right_shift(fz[q], 7) * 128)

    cnt = jnp.where(s < REM, SLOTS, FULL_SLOTS)
    offs = jnp.minimum(lanes16 * SLOT_STRIDE, 2 * SLOT_STRIDE)

    def issue(i, carry):
        v = plsc.load_gather(idx_v, [offs + i])
        g = v[0]
        iy = v[1]
        zoff = pl.multiple_of(v[2], 128)
        for ch in range(3):
            pltpu.async_copy(
                f3_hbm.at[g + ch * (X * Y // 8), iy, pl.ds(zoff, 128)],
                buf_v.at[ch * SLOT_STRIDE + i], sem)
        return carry

    lax.fori_loop(0, cnt, issue, 0)

    def drain(i, carry):
        pltpu.make_async_copy(
            f3_hbm.at[0, 0, pl.ds(0, 128)], buf_v.at[0], sem).wait()
        return carry

    lax.fori_loop(0, 3 * cnt, drain, 0)

    sx = plsc.bitcast(aux_v[pl.ds(OFF_SP, L)], jnp.float32)
    sy = plsc.bitcast(aux_v[pl.ds(OFF_SP + L, L)], jnp.float32)
    sz = plsc.bitcast(aux_v[pl.ds(OFF_SP + 2 * L, L)], jnp.float32)
    acc = jnp.zeros((L,), jnp.float32)
    for q in range(2):
        slots = q * L + lanes16
        rows = jnp.minimum(slots, SLOT_STRIDE - 1)
        zlane = jnp.bitwise_and(fz[q], 127)
        dispx = plsc.load_gather(buf_v, [rows, zlane])
        dispy = plsc.load_gather(buf_v, [rows + SLOT_STRIDE, zlane])
        dispz = plsc.load_gather(buf_v, [rows + 2 * SLOT_STRIDE, zlane])
        dx = (fx[q].astype(jnp.float32) + dispx - mx[q]) * sx
        dy = (fy[q].astype(jnp.float32) + dispy - my[q]) * sy
        dz = (fz[q].astype(jnp.float32) + dispz - mz[q]) * sz
        d2 = dx * dx + dy * dy + dz * dz
        n_global = slots * NUM_TILES + s
        acc = acc + jnp.where(n_global < N, d2, 0.0)

    part_v[...] = acc
    pltpu.sync_copy(part_v, shared.at[pl.ds(s * L, L)])
    plsc.subcore_barrier()

    @pl.when(s == 0)
    def _():
        pltpu.sync_copy(shared, all_v)

        def red(r, tot):
            return tot + plsc.load_gather(all_v, [r * L + lanes16])

        tot = lax.fori_loop(0, NUM_TILES, red, jnp.zeros((L,), jnp.float32))
        total = tot[0]
        for i in range(1, L):
            total = total + tot[i]
        out_v[...] = jnp.full((L,), total * (1.0 / N), jnp.float32)
        pltpu.sync_copy(out_v, out_hbm)


@jax.jit
def _tre(f3, aux):
    mesh = plsc.VectorSubcoreMesh(
        core_axis_name="c", subcore_axis_name="s", num_cores=1)
    run = pl.kernel(
        _tre_body,
        out_type=jax.ShapeDtypeStruct((L,), jnp.float32),
        mesh=mesh,
        scratch_types=[
            pltpu.VMEM((AUX_W,), jnp.int32),
            pltpu.VMEM((CHUNKS,), jnp.int32),
            pltpu.VMEM((CHUNKS, 128), jnp.float32),
            pltpu.VMEM((L,), jnp.float32),
            pltpu.VMEM((NUM_TILES * L,), jnp.float32),
            pltpu.VMEM((L,), jnp.float32),
            pltpu.VMEM_SHARED((NUM_TILES * L,), jnp.float32),
            pltpu.SemaphoreType.DMA,
        ],
        compiler_params=pltpu.CompilerParams(
            use_tc_tiling_on_sc=True, needs_layout_passes=False),
    )
    return run(f3, aux)


def kernel(vector_field, moving_landmarks, fixed_landmarks, image_spacing):
    f3 = vector_field.reshape(G, 8, Z)
    flt = jnp.pad(fixed_landmarks[0].astype(jnp.int32).T,
                  ((0, 0), (0, NPADRR - N))).reshape(3 * NPADRR)
    mlt = jax.lax.bitcast_convert_type(
        jnp.pad(moving_landmarks[0].astype(jnp.float32).T,
                ((0, 0), (0, NPADRR - N))), jnp.int32).reshape(3 * NPADRR)
    spb = jnp.repeat(
        jax.lax.bitcast_convert_type(image_spacing.astype(jnp.float32),
                                     jnp.int32), L)
    aux = jnp.concatenate([flt, mlt, spb])
    out = _tre(f3, aux)
    return out[0]

# --- scband reference (transcript-rebuilt; emitter-appended) ---
"""Pipeline reference for scband-treloss-20186346291823 (READ-ONLY COPY).

The authoritative reference and input builder live on the scoring server;
editing this copy changes nothing except your own understanding.
"""

import jax, jax.numpy as jnp
import numpy as np


def setup_inputs(seed: int = 0) -> dict:
    key = jax.random.key(seed)
    k1, k2, k3, k4 = jax.random.split(key, 4)
    vector_field = jax.random.normal(k1, (1, 3, 192, 160, 192), dtype=jnp.float32)
    moving_landmarks = jax.random.uniform(k2, (1, 300, 3), dtype=jnp.float32)
    fixed_landmarks = jax.random.randint(k3, (1, 300, 3), 0, 160, dtype=jnp.int64) if jax.config.jax_enable_x64 else jax.random.randint(k3, (1, 300, 3), 0, 160).astype(jnp.int32)
    image_spacing = jax.random.uniform(k4, (3,), dtype=jnp.float32)
    return {
        'vector_field': vector_field,
        'moving_landmarks': moving_landmarks,
        'fixed_landmarks': fixed_landmarks,
        'image_spacing': image_spacing,
    }


def reference(vector_field, moving_landmarks, fixed_landmarks, image_spacing):
    # TRELoss(apply_sqrt=False, reduction='mean')
    vf = vector_field[0].astype(jnp.float32)          # [3, X, Y, Z]
    ml = moving_landmarks[0]                           # [N, 3]
    fl = fixed_landmarks[0]                            # [N, 3] int
    if jnp.issubdtype(fl.dtype, jnp.floating):
        fl = jnp.round(fl).astype(jnp.int32)
    x = fl[..., 0]
    y = fl[..., 1]
    z = fl[..., 2]
    # gather: vf[:, x, y, z] -> [3, N]; transpose -> [N, 3]
    displacements = vf[:, x, y, z].T
    distances = fl.astype(jnp.float32) + displacements - ml
    distances = distances * image_spacing
    distances = jnp.sum(distances ** 2, axis=-1)
    return jnp.mean(distances)


if False:  # reference __main__ guard neutralized (emitter)
    out = reference(**setup_inputs())
    print(out)

if __name__ == "__main__":
    import jax
    _d = setup_inputs()
    print(jax.jit(kernel)(*tuple(_d.values())))

</pallas_src>

<mosaic_0001>
#map = affine_map<(d0, d1) -> (0, 0, 0)>
#map1 = affine_map<(d0, d1) -> (0)>
module attributes {stable_mosaic.version = 14 : i64} {
  func.func @_tre_body(%arg0: i32, %arg1: i32, %arg2: memref<11520x8x192xf32, #tpu.memory_space<hbm>>, %arg3: memref<1872xi32, #tpu.memory_space<hbm>>, %arg4: memref<16xf32, #tpu.memory_space<hbm>>, %arg5: memref<1872xi32, #tpu.memory_space<vmem>>, %arg6: memref<96xi32, #tpu.memory_space<vmem>>, %arg7: memref<96x128xf32, #tpu.memory_space<vmem>>, %arg8: memref<16xf32, #tpu.memory_space<vmem>>, %arg9: memref<256xf32, #tpu.memory_space<vmem>>, %arg10: memref<16xf32, #tpu.memory_space<vmem>>, %arg11: memref<256xf32, #tpu.memory_space<vmem_shared>>, %arg12: memref<!tpu.dma_semaphore, #tpu.memory_space<semaphore_mem>>) attributes {dimension_semantics = [#tpu.dimension_semantics<core_parallel>, #tpu.dimension_semantics<subcore_parallel>], iteration_bounds = array<i64: 1, 16>, scalar_prefetch = 0 : i64, scratch_operands = 8 : i64, tpu.core_type = #tpu.core_type<sc_vector_subcore>, window_params = [{transform_indices = #map}, {transform_indices = #map1}, {transform_indices = #map1}]} {
    "tpu.region"() ({
      %run_scoped3A = tpu.sem_alloc : memref<!tpu.dma_semaphore, #tpu.memory_space<semaphore_mem>>
      tpu.enqueue_dma source(%arg3 : memref<1872xi32, #tpu.memory_space<hbm>>) target(%arg5 : memref<1872xi32, #tpu.memory_space<vmem>>) target_semaphore(%run_scoped3A : memref<!tpu.dma_semaphore, #tpu.memory_space<semaphore_mem>>)
      tpu.wait_dma2 semaphore(%run_scoped3A : memref<!tpu.dma_semaphore, #tpu.memory_space<semaphore_mem>>) src(%arg3 : memref<1872xi32, #tpu.memory_space<hbm>>) dst(%arg5 : memref<1872xi32, #tpu.memory_space<vmem>>)
      tpu.yield
    }) : () -> ()
    %iota3A = tpu.iota {dimensions = array<i32: 0>} : vector<16xi32>
    %add3A = arith.constant 0 : i32
    %add3A_0 = vector.broadcast %add3A : i32 to vector<16xi32>
    %add3A_1 = arith.addi %add3A_0, %iota3A : vector<16xi32>
    %mul3A = arith.constant 16 : i32
    %mul3A_2 = vector.broadcast %mul3A : i32 to vector<16xi32>
    %mul3A_3 = arith.muli %add3A_1, %mul3A_2 : vector<16xi32>
    %add3A_4 = vector.broadcast %arg1 : i32 to vector<16xi32>
    %add3A_5 = arith.addi %mul3A_3, %add3A_4 : vector<16xi32>
    %min3A = arith.constant 303 : i32
    %min3A_6 = vector.broadcast %min3A : i32 to vector<16xi32>
    %min3A_7 = arith.minsi %add3A_5, %min3A_6 : vector<16xi32>
    %gather3A = tpu.vector_load_idx %arg5[%min3A_7] : memref<1872xi32, #tpu.memory_space<vmem>>[vector<16xi32>], vector<16xi32>,
    %add3A_8 = arith.constant 304 : i32
    %add3A_9 = vector.broadcast %add3A_8 : i32 to vector<16xi32>
    %add3A_10 = arith.addi %min3A_7, %add3A_9 : vector<16xi32>
    %gather3A_11 = tpu.vector_load_idx %arg5[%add3A_10] : memref<1872xi32, #tpu.memory_space<vmem>>[vector<16xi32>], vector<16xi32>,
    %add3A_12 = arith.constant 608 : i32
    %add3A_13 = vector.broadcast %add3A_12 : i32 to vector<16xi32>
    %add3A_14 = arith.addi %min3A_7, %add3A_13 : vector<16xi32>
    %gather3A_15 = tpu.vector_load_idx %arg5[%add3A_14] : memref<1872xi32, #tpu.memory_space<vmem>>[vector<16xi32>], vector<16xi32>,
    %add3A_16 = arith.constant 912 : i32
    %add3A_17 = vector.broadcast %add3A_16 : i32 to vector<16xi32>
    %add3A_18 = arith.addi %min3A_7, %add3A_17 : vector<16xi32>
    %gather3A_19 = tpu.vector_load_idx %arg5[%add3A_18] : memref<1872xi32, #tpu.memory_space<vmem>>[vector<16xi32>], vector<16xi32>,
    %bitcast3A = vector.bitcast %gather3A_19 : vector<16xi32> to vector<16xf32>
    %add3A_20 = arith.constant 912 : i32
    %add3A_21 = vector.broadcast %add3A_20 : i32 to vector<16xi32>
    %add3A_22 = arith.addi %min3A_7, %add3A_21 : vector<16xi32>
    %add3A_23 = arith.constant 304 : i32
    %add3A_24 = vector.broadcast %add3A_23 : i32 to vector<16xi32>
    %add3A_25 = arith.addi %add3A_22, %add3A_24 : vector<16xi32>
    %gather3A_26 = tpu.vector_load_idx %arg5[%add3A_25] : memref<1872xi32, #tpu.memory_space<vmem>>[vector<16xi32>], vector<16xi32>,
    %bitcast3A_27 = vector.bitcast %gather3A_26 : vector<16xi32> to vector<16xf32>
    %add3A_28 = arith.constant 912 : i32
    %add3A_29 = vector.broadcast %add3A_28 : i32 to vector<16xi32>
    %add3A_30 = arith.addi %min3A_7, %add3A_29 : vector<16xi32>
    %add3A_31 = arith.constant 608 : i32
    %add3A_32 = vector.broadcast %add3A_31 : i32 to vector<16xi32>
    %add3A_33 = arith.addi %add3A_30, %add3A_32 : vector<16xi32>
    %gather3A_34 = tpu.vector_load_idx %arg5[%add3A_33] : memref<1872xi32, #tpu.memory_space<vmem>>[vector<16xi32>], vector<16xi32>,
    %bitcast3A_35 = vector.bitcast %gather3A_34 : vector<16xi32> to vector<16xf32>
    %mul3A_36 = arith.constant 20 : i32
    %mul3A_37 = vector.broadcast %mul3A_36 : i32 to vector<16xi32>
    %mul3A_38 = arith.muli %gather3A, %mul3A_37 : vector<16xi32>
    %shift_right_arithmetic3A = arith.constant 3 : i32
    %shift_right_arithmetic3A_39 = vector.broadcast %shift_right_arithmetic3A : i32 to vector<16xi32>
    %shift_right_arithmetic3A_40 = arith.shrsi %gather3A_11, %shift_right_arithmetic3A_39 : vector<16xi32>
    %add3A_41 = arith.addi %mul3A_38, %shift_right_arithmetic3A_40 : vector<16xi32>
    %swap3A = arith.constant 0 : index
    %swap3A_42 = tpu.vector_load %arg6[%swap3A] {strides = array<i32>} : memref<96xi32, #tpu.memory_space<vmem>>, vector<16xi32>,
    tpu.vector_store %arg6[%swap3A], %add3A_41 {strides = array<i32>} : memref<96xi32, #tpu.memory_space<vmem>>, vector<16xi32>,
    %and3A = arith.constant 7 : i32
    %and3A_43 = vector.broadcast %and3A : i32 to vector<16xi32>
    %and3A_44 = arith.andi %gather3A_11, %and3A_43 : vector<16xi32>
    %swap3A_45 = arith.constant 32 : index
    %swap3A_46 = tpu.vector_load %arg6[%swap3A_45] {strides = array<i32>} : memref<96xi32, #tpu.memory_space<vmem>>, vector<16xi32>,
    tpu.vector_store %arg6[%swap3A_45], %and3A_44 {strides = array<i32>} : memref<96xi32, #tpu.memory_space<vmem>>, vector<16xi32>,
    %shift_right_arithmetic3A_47 = arith.constant 7 : i32
    %shift_right_arithmetic3A_48 = vector.broadcast %shift_right_arithmetic3A_47 : i32 to vector<16xi32>
    %shift_right_arithmetic3A_49 = arith.shrsi %gather3A_15, %shift_right_arithmetic3A_48 : vector<16xi32>
    %mul3A_50 = arith.constant 128 : i32
    %mul3A_51 = vector.broadcast %mul3A_50 : i32 to vector<16xi32>
    %mul3A_52 = arith.muli %shift_right_arithmetic3A_49, %mul3A_51 : vector<16xi32>
    %swap3A_53 = arith.constant 64 : index
    %swap3A_54 = tpu.vector_load %arg6[%swap3A_53] {strides = array<i32>} : memref<96xi32, #tpu.memory_space<vmem>>, vector<16xi32>,
    tpu.vector_store %arg6[%swap3A_53], %mul3A_52 {strides = array<i32>} : memref<96xi32, #tpu.memory_space<vmem>>, vector<16xi32>,
    %add3A_55 = arith.constant 16 : i32
    %add3A_56 = vector.broadcast %add3A_55 : i32 to vector<16xi32>
    %add3A_57 = arith.addi %add3A_56, %iota3A : vector<16xi32>
    %mul3A_58 = arith.constant 16 : i32
    %mul3A_59 = vector.broadcast %mul3A_58 : i32 to vector<16xi32>
    %mul3A_60 = arith.muli %add3A_57, %mul3A_59 : vector<16xi32>
    %add3A_61 = vector.broadcast %arg1 : i32 to vector<16xi32>
    %add3A_62 = arith.addi %mul3A_60, %add3A_61 : vector<16xi32>
    %min3A_63 = arith.constant 303 : i32
    %min3A_64 = vector.broadcast %min3A_63 : i32 to vector<16xi32>
    %min3A_65 = arith.minsi %add3A_62, %min3A_64 : vector<16xi32>
    %gather3A_66 = tpu.vector_load_idx %arg5[%min3A_65] : memref<1872xi32, #tpu.memory_space<vmem>>[vector<16xi32>], vector<16xi32>,
    %add3A_67 = arith.constant 304 : i32
    %add3A_68 = vector.broadcast %add3A_67 : i32 to vector<16xi32>
    %add3A_69 = arith.addi %min3A_65, %add3A_68 : vector<16xi32>
    %gather3A_70 = tpu.vector_load_idx %arg5[%add3A_69] : memref<1872xi32, #tpu.memory_space<vmem>>[vector<16xi32>], vector<16xi32>,
    %add3A_71 = arith.constant 608 : i32
    %add3A_72 = vector.broadcast %add3A_71 : i32 to vector<16xi32>
    %add3A_73 = arith.addi %min3A_65, %add3A_72 : vector<16xi32>
    %gather3A_74 = tpu.vector_load_idx %arg5[%add3A_73] : memref<1872xi32, #tpu.memory_space<vmem>>[vector<16xi32>], vector<16xi32>,
    %add3A_75 = arith.constant 912 : i32
    %add3A_76 = vector.broadcast %add3A_75 : i32 to vector<16xi32>
    %add3A_77 = arith.addi %min3A_65, %add3A_76 : vector<16xi32>
    %gather3A_78 = tpu.vector_load_idx %arg5[%add3A_77] : memref<1872xi32, #tpu.memory_space<vmem>>[vector<16xi32>], vector<16xi32>,
    %bitcast3A_79 = vector.bitcast %gather3A_78 : vector<16xi32> to vector<16xf32>
    %add3A_80 = arith.constant 912 : i32
    %add3A_81 = vector.broadcast %add3A_80 : i32 to vector<16xi32>
    %add3A_82 = arith.addi %min3A_65, %add3A_81 : vector<16xi32>
    %add3A_83 = arith.constant 304 : i32
    %add3A_84 = vector.broadcast %add3A_83 : i32 to vector<16xi32>
    %add3A_85 = arith.addi %add3A_82, %add3A_84 : vector<16xi32>
    %gather3A_86 = tpu.vector_load_idx %arg5[%add3A_85] : memref<1872xi32, #tpu.memory_space<vmem>>[vector<16xi32>], vector<16xi32>,
    %bitcast3A_87 = vector.bitcast %gather3A_86 : vector<16xi32> to vector<16xf32>
    %add3A_88 = arith.constant 912 : i32
    %add3A_89 = vector.broadcast %add3A_88 : i32 to vector<16xi32>
    %add3A_90 = arith.addi %min3A_65, %add3A_89 : vector<16xi32>
    %add3A_91 = arith.constant 608 : i32
    %add3A_92 = vector.broadcast %add3A_91 : i32 to vector<16xi32>
    %add3A_93 = arith.addi %add3A_90, %add3A_92 : vector<16xi32>
    %gather3A_94 = tpu.vector_load_idx %arg5[%add3A_93] : memref<1872xi32, #tpu.memory_space<vmem>>[vector<16xi32>], vector<16xi32>,
    %bitcast3A_95 = vector.bitcast %gather3A_94 : vector<16xi32> to vector<16xf32>
    %mul3A_96 = arith.constant 20 : i32
    %mul3A_97 = vector.broadcast %mul3A_96 : i32 to vector<16xi32>
    %mul3A_98 = arith.muli %gather3A_66, %mul3A_97 : vector<16xi32>
    %shift_right_arithmetic3A_99 = arith.constant 3 : i32
    %shift_right_arithmetic3A_100 = vector.broadcast %shift_right_arithmetic3A_99 : i32 to vector<16xi32>
    %shift_right_arithmetic3A_101 = arith.shrsi %gather3A_70, %shift_right_arithmetic3A_100 : vector<16xi32>
    %add3A_102 = arith.addi %mul3A_98, %shift_right_arithmetic3A_101 : vector<16xi32>
    %swap3A_103 = arith.constant 16 : index
    %swap3A_104 = tpu.vector_load %arg6[%swap3A_103] {strides = array<i32>} : memref<96xi32, #tpu.memory_space<vmem>>, vector<16xi32>,
    tpu.vector_store %arg6[%swap3A_103], %add3A_102 {strides = array<i32>} : memref<96xi32, #tpu.memory_space<vmem>>, vector<16xi32>,
    %and3A_105 = arith.constant 7 : i32
    %and3A_106 = vector.broadcast %and3A_105 : i32 to vector<16xi32>
    %and3A_107 = arith.andi %gather3A_70, %and3A_106 : vector<16xi32>
    %swap3A_108 = arith.constant 48 : index
    %swap3A_109 = tpu.vector_load %arg6[%swap3A_108] {strides = array<i32>} : memref<96xi32, #tpu.memory_space<vmem>>, vector<16xi32>,
    tpu.vector_store %arg6[%swap3A_108], %and3A_107 {strides = array<i32>} : memref<96xi32, #tpu.memory_space<vmem>>, vector<16xi32>,
    %shift_right_arithmetic3A_110 = arith.constant 7 : i32
    %shift_right_arithmetic3A_111 = vector.broadcast %shift_right_arithmetic3A_110 : i32 to vector<16xi32>
    %shift_right_arithmetic3A_112 = arith.shrsi %gather3A_74, %shift_right_arithmetic3A_111 : vector<16xi32>
    %mul3A_113 = arith.constant 128 : i32
    %mul3A_114 = vector.broadcast %mul3A_113 : i32 to vector<16xi32>
    %mul3A_115 = arith.muli %shift_right_arithmetic3A_112, %mul3A_114 : vector<16xi32>
    %swap3A_116 = arith.constant 80 : index
    %swap3A_117 = tpu.vector_load %arg6[%swap3A_116] {strides = array<i32>} : memref<96xi32, #tpu.memory_space<vmem>>, vector<16xi32>,
    tpu.vector_store %arg6[%swap3A_116], %mul3A_115 {strides = array<i32>} : memref<96xi32, #tpu.memory_space<vmem>>, vector<16xi32>,
    %lt3A = arith.constant 12 : i32
    %lt3A_118 = arith.cmpi slt, %arg1, %lt3A : i32
    %jit3A = arith.constant 19 : i32
    %jit3A_119 = arith.constant 18 : i32
    %select_n3A = arith.select %lt3A_118, %jit3A, %jit3A_119 : i32
    %mul3A_120 = arith.constant 32 : i32
    %mul3A_121 = vector.broadcast %mul3A_120 : i32 to vector<16xi32>
    %mul3A_122 = arith.muli %iota3A, %mul3A_121 : vector<16xi32>
    %min3A_123 = arith.constant 64 : i32
    %min3A_124 = vector.broadcast %min3A_123 : i32 to vector<16xi32>
    %min3A_125 = arith.minsi %mul3A_122, %min3A_124 : vector<16xi32>
    %while3A = arith.constant 0 : i32
    %while3A_126 = arith.constant 0 : i32
    %while3A_127 = arith.subi %select_n3A, %while3A_126 : i32
    %while3A_128 = arith.addi %while3A_126, %while3A_127 : i32
    %while3A_129 = arith.constant 1 : i32
    %while3A_130 = arith.divsi %while3A_127, %while3A_129 : i32
    %while3A_131 = arith.muli %while3A_130, %while3A_129 : i32
    %while3A_132 = arith.addi %while3A_126, %while3A_131 : i32
    %while3A_133 = arith.constant 1 : i32
    scf.for %while3A_255 = %while3A_126 to %while3A_132 step %while3A_133  : i32 {
      %add3A_256 = vector.broadcast %while3A_255 : i32 to vector<16xi32>
      %add3A_257 = arith.addi %min3A_125, %add3A_256 : vector<16xi32>
      %gather3A_258 = tpu.vector_load_idx %arg6[%add3A_257] : memref<96xi32, #tpu.memory_space<vmem>>[vector<16xi32>], vector<16xi32>,
      %slice3A = vector.extract_strided_slice %gather3A_258 {offsets = [0], sizes = [1], strides = [1]} : vector<16xi32> to vector<1xi32>
      %squeeze3A = vector.extract %slice3A[0] : i32 from vector<1xi32>
      %slice3A_259 = vector.extract_strided_slice %gather3A_258 {offsets = [1], sizes = [1], strides = [1]} : vector<16xi32> to vector<1xi32>
      %squeeze3A_260 = vector.extract %slice3A_259[0] : i32 from vector<1xi32>
      %slice3A_261 = vector.extract_strided_slice %gather3A_258 {offsets = [2], sizes = [1], strides = [1]} : vector<16xi32> to vector<1xi32>
      %squeeze3A_262 = vector.extract %slice3A_261[0] : i32 from vector<1xi32>
      %multiple_of3A = tpu.assume_multiple %squeeze3A_262, 128 : i32
      %add3A_263 = arith.constant 0 : i32
      %add3A_264 = arith.addi %squeeze3A, %add3A_263 : i32
      %add3A_265 = arith.constant 0 : i32
      %add3A_266 = arith.addi %add3A_265, %while3A_255 : i32
      %dma_start3A = arith.constant 0 : i32
      %dma_start3A_267 = tpu.memref_slice %arg7[%add3A_266, %dma_start3A] : memref<96x128xf32, #tpu.memory_space<vmem>> -> memref<1x128xf32, #tpu.memory_space<vmem>>
      %dma_start3A_268 = tpu.memref_squeeze %dma_start3A_267 : memref<1x128xf32, #tpu.memory_space<vmem>> -> memref<128xf32, #tpu.memory_space<vmem>>
      %dma_start3A_269 = tpu.memref_slice %arg2[%add3A_264, %squeeze3A_260, %multiple_of3A] : memref<11520x8x192xf32, #tpu.memory_space<hbm>> -> memref<1x1x128xf32, #tpu.memory_space<hbm>>
      %dma_start3A_270 = tpu.memref_squeeze %dma_start3A_269 : memref<1x1x128xf32, #tpu.memory_space<hbm>> -> memref<128xf32, #tpu.memory_space<hbm>>
      %dma_start3A_271 = arith.constant 0 : i32
      %dma_start3A_272 = tpu.memref_slice %arg7[%add3A_266, %dma_start3A_271] : memref<96x128xf32, #tpu.memory_space<vmem>> -> memref<1x128xf32, #tpu.memory_space<vmem>>
      %dma_start3A_273 = tpu.memref_squeeze %dma_start3A_272 : memref<1x128xf32, #tpu.memory_space<vmem>> -> memref<128xf32, #tpu.memory_space<vmem>>
      %dma_start3A_274 = tpu.memref_slice %arg2[%add3A_264, %squeeze3A_260, %multiple_of3A] : memref<11520x8x192xf32, #tpu.memory_space<hbm>> -> memref<1x1x128xf32, #tpu.memory_space<hbm>>
      %dma_start3A_275 = tpu.memref_squeeze %dma_start3A_274 : memref<1x1x128xf32, #tpu.memory_space<hbm>> -> memref<128xf32, #tpu.memory_space<hbm>>
      tpu.enqueue_dma source(%dma_start3A_275 : memref<128xf32, #tpu.memory_space<hbm>>) target(%dma_start3A_273 : memref<128xf32, #tpu.memory_space<vmem>>) target_semaphore(%arg12 : memref<!tpu.dma_semaphore, #tpu.memory_space<semaphore_mem>>)
      %add3A_276 = arith.constant 3840 : i32
      %add3A_277 = arith.addi %squeeze3A, %add3A_276 : i32
      %add3A_278 = arith.constant 32 : i32
      %add3A_279 = arith.addi %add3A_278, %while3A_255 : i32
      %dma_start3A_280 = arith.constant 0 : i32
      %dma_start3A_281 = tpu.memref_slice %arg7[%add3A_279, %dma_start3A_280] : memref<96x128xf32, #tpu.memory_space<vmem>> -> memref<1x128xf32, #tpu.memory_space<vmem>>
      %dma_start3A_282 = tpu.memref_squeeze %dma_start3A_281 : memref<1x128xf32, #tpu.memory_space<vmem>> -> memref<128xf32, #tpu.memory_space<vmem>>
      %dma_start3A_283 = tpu.memref_slice %arg2[%add3A_277, %squeeze3A_260, %multiple_of3A] : memref<11520x8x192xf32, #tpu.memory_space<hbm>> -> memref<1x1x128xf32, #tpu.memory_space<hbm>>
      %dma_start3A_284 = tpu.memref_squeeze %dma_start3A_283 : memref<1x1x128xf32, #tpu.memory_space<hbm>> -> memref<128xf32, #tpu.memory_space<hbm>>
      %dma_start3A_285 = arith.constant 0 : i32
      %dma_start3A_286 = tpu.memref_slice %arg7[%add3A_279, %dma_start3A_285] : memref<96x128xf32, #tpu.memory_space<vmem>> -> memref<1x128xf32, #tpu.memory_space<vmem>>
      %dma_start3A_287 = tpu.memref_squeeze %dma_start3A_286 : memref<1x128xf32, #tpu.memory_space<vmem>> -> memref<128xf32, #tpu.memory_space<vmem>>
      %dma_start3A_288 = tpu.memref_slice %arg2[%add3A_277, %squeeze3A_260, %multiple_of3A] : memref<11520x8x192xf32, #tpu.memory_space<hbm>> -> memref<1x1x128xf32, #tpu.memory_space<hbm>>
      %dma_start3A_289 = tpu.memref_squeeze %dma_start3A_288 : memref<1x1x128xf32, #tpu.memory_space<hbm>> -> memref<128xf32, #tpu.memory_space<hbm>>
      tpu.enqueue_dma source(%dma_start3A_289 : memref<128xf32, #tpu.memory_space<hbm>>) target(%dma_start3A_287 : memref<128xf32, #tpu.memory_space<vmem>>) target_semaphore(%arg12 : memref<!tpu.dma_semaphore, #tpu.memory_space<semaphore_mem>>)
      %add3A_290 = arith.constant 7680 : i32
      %add3A_291 = arith.addi %squeeze3A, %add3A_290 : i32
      %add3A_292 = arith.constant 64 : i32
      %add3A_293 = arith.addi %add3A_292, %while3A_255 : i32
      %dma_start3A_294 = arith.constant 0 : i32
      %dma_start3A_295 = tpu.memref_slice %arg7[%add3A_293, %dma_start3A_294] : memref<96x128xf32, #tpu.memory_space<vmem>> -> memref<1x128xf32, #tpu.memory_space<vmem>>
      %dma_start3A_296 = tpu.memref_squeeze %dma_start3A_295 : memref<1x128xf32, #tpu.memory_space<vmem>> -> memref<128xf32, #tpu.memory_space<vmem>>
      %dma_start3A_297 = tpu.memref_slice %arg2[%add3A_291, %squeeze3A_260, %multiple_of3A] : memref<11520x8x192xf32, #tpu.memory_space<hbm>> -> memref<1x1x128xf32, #tpu.memory_space<hbm>>
      %dma_start3A_298 = tpu.memref_squeeze %dma_start3A_297 : memref<1x1x128xf32, #tpu.memory_space<hbm>> -> memref<128xf32, #tpu.memory_space<hbm>>
      %dma_start3A_299 = arith.constant 0 : i32
      %dma_start3A_300 = tpu.memref_slice %arg7[%add3A_293, %dma_start3A_299] : memref<96x128xf32, #tpu.memory_space<vmem>> -> memref<1x128xf32, #tpu.memory_space<vmem>>
      %dma_start3A_301 = tpu.memref_squeeze %dma_start3A_300 : memref<1x128xf32, #tpu.memory_space<vmem>> -> memref<128xf32, #tpu.memory_space<vmem>>
      %dma_start3A_302 = tpu.memref_slice %arg2[%add3A_291, %squeeze3A_260, %multiple_of3A] : memref<11520x8x192xf32, #tpu.memory_space<hbm>> -> memref<1x1x128xf32, #tpu.memory_space<hbm>>
      %dma_start3A_303 = tpu.memref_squeeze %dma_start3A_302 : memref<1x1x128xf32, #tpu.memory_space<hbm>> -> memref<128xf32, #tpu.memory_space<hbm>>
      tpu.enqueue_dma source(%dma_start3A_303 : memref<128xf32, #tpu.memory_space<hbm>>) target(%dma_start3A_301 : memref<128xf32, #tpu.memory_space<vmem>>) target_semaphore(%arg12 : memref<!tpu.dma_semaphore, #tpu.memory_space<semaphore_mem>>)
    }
    %while3A_134 = arith.constant 1 : i32
    scf.for %while3A_255 = %while3A_132 to %while3A_128 step %while3A_134  : i32 {
      %add3A_256 = vector.broadcast %while3A_255 : i32 to vector<16xi32>
      %add3A_257 = arith.addi %min3A_125, %add3A_256 : vector<16xi32>
      %gather3A_258 = tpu.vector_load_idx %arg6[%add3A_257] : memref<96xi32, #tpu.memory_space<vmem>>[vector<16xi32>], vector<16xi32>,
      %slice3A = vector.extract_strided_slice %gather3A_258 {offsets = [0], sizes = [1], strides = [1]} : vector<16xi32> to vector<1xi32>
      %squeeze3A = vector.extract %slice3A[0] : i32 from vector<1xi32>
      %slice3A_259 = vector.extract_strided_slice %gather3A_258 {offsets = [1], sizes = [1], strides = [1]} : vector<16xi32> to vector<1xi32>
      %squeeze3A_260 = vector.extract %slice3A_259[0] : i32 from vector<1xi32>
      %slice3A_261 = vector.extract_strided_slice %gather3A_258 {offsets = [2], sizes = [1], strides = [1]} : vector<16xi32> to vector<1xi32>
      %squeeze3A_262 = vector.extract %slice3A_261[0] : i32 from vector<1xi32>
      %multiple_of3A = tpu.assume_multiple %squeeze3A_262, 128 : i32
      %add3A_263 = arith.constant 0 : i32
      %add3A_264 = arith.addi %squeeze3A, %add3A_263 : i32
      %add3A_265 = arith.constant 0 : i32
      %add3A_266 = arith.addi %add3A_265, %while3A_255 : i32
      %dma_start3A = arith.constant 0 : i32
      %dma_start3A_267 = tpu.memref_slice %arg7[%add3A_266, %dma_start3A] : memref<96x128xf32, #tpu.memory_space<vmem>> -> memref<1x128xf32, #tpu.memory_space<vmem>>
      %dma_start3A_268 = tpu.memref_squeeze %dma_start3A_267 : memref<1x128xf32, #tpu.memory_space<vmem>> -> memref<128xf32, #tpu.memory_space<vmem>>
      %dma_start3A_269 = tpu.memref_slice %arg2[%add3A_264, %squeeze3A_260, %multiple_of3A] : memref<11520x8x192xf32, #tpu.memory_space<hbm>> -> memref<1x1x128xf32, #tpu.memory_space<hbm>>
      %dma_start3A_270 = tpu.memref_squeeze %dma_start3A_269 : memref<1x1x128xf32, #tpu.memory_space<hbm>> -> memref<128xf32, #tpu.memory_space<hbm>>
      %dma_start3A_271 = arith.constant 0 : i32
      %dma_start3A_272 = tpu.memref_slice %arg7[%add3A_266, %dma_start3A_271] : memref<96x128xf32, #tpu.memory_space<vmem>> -> memref<1x128xf32, #tpu.memory_space<vmem>>
      %dma_start3A_273 = tpu.memref_squeeze %dma_start3A_272 : memref<1x128xf32, #tpu.memory_space<vmem>> -> memref<128xf32, #tpu.memory_space<vmem>>
      %dma_start3A_274 = tpu.memref_slice %arg2[%add3A_264, %squeeze3A_260, %multiple_of3A] : memref<11520x8x192xf32, #tpu.memory_space<hbm>> -> memref<1x1x128xf32, #tpu.memory_space<hbm>>
      %dma_start3A_275 = tpu.memref_squeeze %dma_start3A_274 : memref<1x1x128xf32, #tpu.memory_space<hbm>> -> memref<128xf32, #tpu.memory_space<hbm>>
      tpu.enqueue_dma source(%dma_start3A_275 : memref<128xf32, #tpu.memory_space<hbm>>) target(%dma_start3A_273 : memref<128xf32, #tpu.memory_space<vmem>>) target_semaphore(%arg12 : memref<!tpu.dma_semaphore, #tpu.memory_space<semaphore_mem>>)
      %add3A_276 = arith.constant 3840 : i32
      %add3A_277 = arith.addi %squeeze3A, %add3A_276 : i32
      %add3A_278 = arith.constant 32 : i32
      %add3A_279 = arith.addi %add3A_278, %while3A_255 : i32
      %dma_start3A_280 = arith.constant 0 : i32
      %dma_start3A_281 = tpu.memref_slice %arg7[%add3A_279, %dma_start3A_280] : memref<96x128xf32, #tpu.memory_space<vmem>> -> memref<1x128xf32, #tpu.memory_space<vmem>>
      %dma_start3A_282 = tpu.memref_squeeze %dma_start3A_281 : memref<1x128xf32, #tpu.memory_space<vmem>> -> memref<128xf32, #tpu.memory_space<vmem>>
      %dma_start3A_283 = tpu.memref_slice %arg2[%add3A_277, %squeeze3A_260, %multiple_of3A] : memref<11520x8x192xf32, #tpu.memory_space<hbm>> -> memref<1x1x128xf32, #tpu.memory_space<hbm>>
      %dma_start3A_284 = tpu.memref_squeeze %dma_start3A_283 : memref<1x1x128xf32, #tpu.memory_space<hbm>> -> memref<128xf32, #tpu.memory_space<hbm>>
      %dma_start3A_285 = arith.constant 0 : i32
      %dma_start3A_286 = tpu.memref_slice %arg7[%add3A_279, %dma_start3A_285] : memref<96x128xf32, #tpu.memory_space<vmem>> -> memref<1x128xf32, #tpu.memory_space<vmem>>
      %dma_start3A_287 = tpu.memref_squeeze %dma_start3A_286 : memref<1x128xf32, #tpu.memory_space<vmem>> -> memref<128xf32, #tpu.memory_space<vmem>>
      %dma_start3A_288 = tpu.memref_slice %arg2[%add3A_277, %squeeze3A_260, %multiple_of3A] : memref<11520x8x192xf32, #tpu.memory_space<hbm>> -> memref<1x1x128xf32, #tpu.memory_space<hbm>>
      %dma_start3A_289 = tpu.memref_squeeze %dma_start3A_288 : memref<1x1x128xf32, #tpu.memory_space<hbm>> -> memref<128xf32, #tpu.memory_space<hbm>>
      tpu.enqueue_dma source(%dma_start3A_289 : memref<128xf32, #tpu.memory_space<hbm>>) target(%dma_start3A_287 : memref<128xf32, #tpu.memory_space<vmem>>) target_semaphore(%arg12 : memref<!tpu.dma_semaphore, #tpu.memory_space<semaphore_mem>>)
      %add3A_290 = arith.constant 7680 : i32
      %add3A_291 = arith.addi %squeeze3A, %add3A_290 : i32
      %add3A_292 = arith.constant 64 : i32
      %add3A_293 = arith.addi %add3A_292, %while3A_255 : i32
      %dma_start3A_294 = arith.constant 0 : i32
      %dma_start3A_295 = tpu.memref_slice %arg7[%add3A_293, %dma_start3A_294] : memref<96x128xf32, #tpu.memory_space<vmem>> -> memref<1x128xf32, #tpu.memory_space<vmem>>
      %dma_start3A_296 = tpu.memref_squeeze %dma_start3A_295 : memref<1x128xf32, #tpu.memory_space<vmem>> -> memref<128xf32, #tpu.memory_space<vmem>>
      %dma_start3A_297 = tpu.memref_slice %arg2[%add3A_291, %squeeze3A_260, %multiple_of3A] : memref<11520x8x192xf32, #tpu.memory_space<hbm>> -> memref<1x1x128xf32, #tpu.memory_space<hbm>>
      %dma_start3A_298 = tpu.memref_squeeze %dma_start3A_297 : memref<1x1x128xf32, #tpu.memory_space<hbm>> -> memref<128xf32, #tpu.memory_space<hbm>>
      %dma_start3A_299 = arith.constant 0 : i32
      %dma_start3A_300 = tpu.memref_slice %arg7[%add3A_293, %dma_start3A_299] : memref<96x128xf32, #tpu.memory_space<vmem>> -> memref<1x128xf32, #tpu.memory_space<vmem>>
      %dma_start3A_301 = tpu.memref_squeeze %dma_start3A_300 : memref<1x128xf32, #tpu.memory_space<vmem>> -> memref<128xf32, #tpu.memory_space<vmem>>
      %dma_start3A_302 = tpu.memref_slice %arg2[%add3A_291, %squeeze3A_260, %multiple_of3A] : memref<11520x8x192xf32, #tpu.memory_space<hbm>> -> memref<1x1x128xf32, #tpu.memory_space<hbm>>
      %dma_start3A_303 = tpu.memref_squeeze %dma_start3A_302 : memref<1x1x128xf32, #tpu.memory_space<hbm>> -> memref<128xf32, #tpu.memory_space<hbm>>
      tpu.enqueue_dma source(%dma_start3A_303 : memref<128xf32, #tpu.memory_space<hbm>>) target(%dma_start3A_301 : memref<128xf32, #tpu.memory_space<vmem>>) target_semaphore(%arg12 : memref<!tpu.dma_semaphore, #tpu.memory_space<semaphore_mem>>)
    }
    %mul3A_135 = arith.constant 3 : i32
    %mul3A_136 = arith.muli %mul3A_135, %select_n3A : i32
    %while3A_137 = arith.constant 0 : i32
    %while3A_138 = arith.constant 0 : i32
    %while3A_139 = arith.subi %mul3A_136, %while3A_138 : i32
    %while3A_140 = arith.addi %while3A_138, %while3A_139 : i32
    %while3A_141 = arith.constant 1 : i32
    %while3A_142 = arith.divsi %while3A_139, %while3A_141 : i32
    %while3A_143 = arith.muli %while3A_142, %while3A_141 : i32
    %while3A_144 = arith.addi %while3A_138, %while3A_143 : i32
    %while3A_145 = arith.constant 1 : i32
    scf.for %while3A_255 = %while3A_138 to %while3A_144 step %while3A_145  : i32 {
      %dma_wait3A = arith.constant 0 : i32
      %dma_wait3A_256 = arith.constant 0 : i32
      %dma_wait3A_257 = arith.constant 0 : i32
      %dma_wait3A_258 = arith.constant 0 : i32
      %dma_wait3A_259 = tpu.memref_slice %arg7[%dma_wait3A_257, %dma_wait3A_258] : memref<96x128xf32, #tpu.memory_space<vmem>> -> memref<1x128xf32, #tpu.memory_space<vmem>>
      %dma_wait3A_260 = tpu.memref_squeeze %dma_wait3A_259 : memref<1x128xf32, #tpu.memory_space<vmem>> -> memref<128xf32, #tpu.memory_space<vmem>>
      %dma_wait3A_261 = arith.constant 0 : i32
      %dma_wait3A_262 = tpu.memref_slice %arg2[%dma_wait3A, %dma_wait3A_256, %dma_wait3A_261] : memref<11520x8x192xf32, #tpu.memory_space<hbm>> -> memref<1x1x128xf32, #tpu.memory_space<hbm>>
      %dma_wait3A_263 = tpu.memref_squeeze %dma_wait3A_262 : memref<1x1x128xf32, #tpu.memory_space<hbm>> -> memref<128xf32, #tpu.memory_space<hbm>>
      %dma_wait3A_264 = arith.constant 0 : i32
      %dma_wait3A_265 = tpu.memref_slice %arg7[%dma_wait3A_257, %dma_wait3A_264] : memref<96x128xf32, #tpu.memory_space<vmem>> -> memref<1x128xf32, #tpu.memory_space<vmem>>
      %dma_wait3A_266 = tpu.memref_squeeze %dma_wait3A_265 : memref<1x128xf32, #tpu.memory_space<vmem>> -> memref<128xf32, #tpu.memory_space<vmem>>
      %dma_wait3A_267 = arith.constant 0 : i32
      %dma_wait3A_268 = tpu.memref_slice %arg2[%dma_wait3A, %dma_wait3A_256, %dma_wait3A_267] : memref<11520x8x192xf32, #tpu.memory_space<hbm>> -> memref<1x1x128xf32, #tpu.memory_space<hbm>>
      %dma_wait3A_269 = tpu.memref_squeeze %dma_wait3A_268 : memref<1x1x128xf32, #tpu.memory_space<hbm>> -> memref<128xf32, #tpu.memory_space<hbm>>
      tpu.wait_dma2 semaphore(%arg12 : memref<!tpu.dma_semaphore, #tpu.memory_space<semaphore_mem>>) src(%dma_wait3A_269 : memref<128xf32, #tpu.memory_space<hbm>>) dst(%dma_wait3A_266 : memref<128xf32, #tpu.memory_space<vmem>>)
    }
    %while3A_146 = arith.constant 1 : i32
    scf.for %while3A_255 = %while3A_144 to %while3A_140 step %while3A_146  : i32 {
      %dma_wait3A = arith.constant 0 : i32
      %dma_wait3A_256 = arith.constant 0 : i32
      %dma_wait3A_257 = arith.constant 0 : i32
      %dma_wait3A_258 = arith.constant 0 : i32
      %dma_wait3A_259 = tpu.memref_slice %arg7[%dma_wait3A_257, %dma_wait3A_258] : memref<96x128xf32, #tpu.memory_space<vmem>> -> memref<1x128xf32, #tpu.memory_space<vmem>>
      %dma_wait3A_260 = tpu.memref_squeeze %dma_wait3A_259 : memref<1x128xf32, #tpu.memory_space<vmem>> -> memref<128xf32, #tpu.memory_space<vmem>>
      %dma_wait3A_261 = arith.constant 0 : i32
      %dma_wait3A_262 = tpu.memref_slice %arg2[%dma_wait3A, %dma_wait3A_256, %dma_wait3A_261] : memref<11520x8x192xf32, #tpu.memory_space<hbm>> -> memref<1x1x128xf32, #tpu.memory_space<hbm>>
      %dma_wait3A_263 = tpu.memref_squeeze %dma_wait3A_262 : memref<1x1x128xf32, #tpu.memory_space<hbm>> -> memref<128xf32, #tpu.memory_space<hbm>>
      %dma_wait3A_264 = arith.constant 0 : i32
      %dma_wait3A_265 = tpu.memref_slice %arg7[%dma_wait3A_257, %dma_wait3A_264] : memref<96x128xf32, #tpu.memory_space<vmem>> -> memref<1x128xf32, #tpu.memory_space<vmem>>
      %dma_wait3A_266 = tpu.memref_squeeze %dma_wait3A_265 : memref<1x128xf32, #tpu.memory_space<vmem>> -> memref<128xf32, #tpu.memory_space<vmem>>
      %dma_wait3A_267 = arith.constant 0 : i32
      %dma_wait3A_268 = tpu.memref_slice %arg2[%dma_wait3A, %dma_wait3A_256, %dma_wait3A_267] : memref<11520x8x192xf32, #tpu.memory_space<hbm>> -> memref<1x1x128xf32, #tpu.memory_space<hbm>>
      %dma_wait3A_269 = tpu.memref_squeeze %dma_wait3A_268 : memref<1x1x128xf32, #tpu.memory_space<hbm>> -> memref<128xf32, #tpu.memory_space<hbm>>
      tpu.wait_dma2 semaphore(%arg12 : memref<!tpu.dma_semaphore, #tpu.memory_space<semaphore_mem>>) src(%dma_wait3A_269 : memref<128xf32, #tpu.memory_space<hbm>>) dst(%dma_wait3A_266 : memref<128xf32, #tpu.memory_space<vmem>>)
    }
    %get3A = arith.constant 1824 : index
    %get3A_147 = tpu.vector_load %arg5[%get3A] {strides = array<i32>} : memref<1872xi32, #tpu.memory_space<vmem>>, vector<16xi32>,
    %bitcast3A_148 = vector.bitcast %get3A_147 : vector<16xi32> to vector<16xf32>
    %get3A_149 = arith.constant 1840 : index
    %get3A_150 = tpu.vector_load %arg5[%get3A_149] {strides = array<i32>} : memref<1872xi32, #tpu.memory_space<vmem>>, vector<16xi32>,
    %bitcast3A_151 = vector.bitcast %get3A_150 : vector<16xi32> to vector<16xf32>
    %get3A_152 = arith.constant 1856 : index
    %get3A_153 = tpu.vector_load %arg5[%get3A_152] {strides = array<i32>} : memref<1872xi32, #tpu.memory_space<vmem>>, vector<16xi32>,
    %bitcast3A_154 = vector.bitcast %get3A_153 : vector<16xi32> to vector<16xf32>
    %broadcast_in_dim3A = arith.constant 0.000000e+00 : f32
    %broadcast_in_dim3A_155 = vector.broadcast %broadcast_in_dim3A : f32 to vector<16xf32>
    %add3A_156 = arith.constant 0 : i32
    %add3A_157 = vector.broadcast %add3A_156 : i32 to vector<16xi32>
    %add3A_158 = arith.addi %add3A_157, %iota3A : vector<16xi32>
    %min3A_159 = arith.constant 31 : i32
    %min3A_160 = vector.broadcast %min3A_159 : i32 to vector<16xi32>
    %min3A_161 = arith.minsi %add3A_158, %min3A_160 : vector<16xi32>
    %and3A_162 = arith.constant 127 : i32
    %and3A_163 = vector.broadcast %and3A_162 : i32 to vector<16xi32>
    %and3A_164 = arith.andi %gather3A_15, %and3A_163 : vector<16xi32>
    %gather3A_165 = tpu.vector_load_idx %arg7[%min3A_161, %and3A_164] : memref<96x128xf32, #tpu.memory_space<vmem>>[vector<16xi32>, vector<16xi32>], vector<16xf32>,
    %add3A_166 = arith.constant 32 : i32
    %add3A_167 = vector.broadcast %add3A_166 : i32 to vector<16xi32>
    %add3A_168 = arith.addi %min3A_161, %add3A_167 : vector<16xi32>
    %gather3A_169 = tpu.vector_load_idx %arg7[%add3A_168, %and3A_164] : memref<96x128xf32, #tpu.memory_space<vmem>>[vector<16xi32>, vector<16xi32>], vector<16xf32>,
    %add3A_170 = arith.constant 64 : i32
    %add3A_171 = vector.broadcast %add3A_170 : i32 to vector<16xi32>
    %add3A_172 = arith.addi %min3A_161, %add3A_171 : vector<16xi32>
    %gather3A_173 = tpu.vector_load_idx %arg7[%add3A_172, %and3A_164] : memref<96x128xf32, #tpu.memory_space<vmem>>[vector<16xi32>, vector<16xi32>], vector<16xf32>,
    %convert_element_type3A = arith.sitofp %gather3A : vector<16xi32> to vector<16xf32>
    %add3A_174 = arith.addf %convert_element_type3A, %gather3A_165 : vector<16xf32>
    %sub3A = arith.subf %add3A_174, %bitcast3A : vector<16xf32>
    %mul3A_175 = arith.mulf %sub3A, %bitcast3A_148 : vector<16xf32>
    %convert_element_type3A_176 = arith.sitofp %gather3A_11 : vector<16xi32> to vector<16xf32>
    %add3A_177 = arith.addf %convert_element_type3A_176, %gather3A_169 : vector<16xf32>
    %sub3A_178 = arith.subf %add3A_177, %bitcast3A_27 : vector<16xf32>
    %mul3A_179 = arith.mulf %sub3A_178, %bitcast3A_151 : vector<16xf32>
    %convert_element_type3A_180 = arith.sitofp %gather3A_15 : vector<16xi32> to vector<16xf32>
    %add3A_181 = arith.addf %convert_element_type3A_180, %gather3A_173 : vector<16xf32>
    %sub3A_182 = arith.subf %add3A_181, %bitcast3A_35 : vector<16xf32>
    %mul3A_183 = arith.mulf %sub3A_182, %bitcast3A_154 : vector<16xf32>
    %mul3A_184 = arith.mulf %mul3A_175, %mul3A_175 : vector<16xf32>
    %mul3A_185 = arith.mulf %mul3A_179, %mul3A_179 : vector<16xf32>
    %add3A_186 = arith.addf %mul3A_184, %mul3A_185 : vector<16xf32>
    %mul3A_187 = arith.mulf %mul3A_183, %mul3A_183 : vector<16xf32>
    %add3A_188 = arith.addf %add3A_186, %mul3A_187 : vector<16xf32>
    %mul3A_189 = arith.constant 16 : i32
    %mul3A_190 = vector.broadcast %mul3A_189 : i32 to vector<16xi32>
    %mul3A_191 = arith.muli %add3A_158, %mul3A_190 : vector<16xi32>
    %add3A_192 = vector.broadcast %arg1 : i32 to vector<16xi32>
    %add3A_193 = arith.addi %mul3A_191, %add3A_192 : vector<16xi32>
    %lt3A_194 = arith.constant 300 : i32
    %lt3A_195 = vector.broadcast %lt3A_194 : i32 to vector<16xi32>
    %lt3A_196 = arith.cmpi slt, %add3A_193, %lt3A_195 : vector<16xi32>
    %jit3A_197 = arith.constant 0.000000e+00 : f32
    %broadcast_in_dim3A_198 = vector.broadcast %jit3A_197 : f32 to vector<16xf32>
    %select_n3A_199 = arith.select %lt3A_196, %add3A_188, %broadcast_in_dim3A_198 : vector<16xi1>, vector<16xf32>
    %add3A_200 = arith.addf %broadcast_in_dim3A_155, %select_n3A_199 : vector<16xf32>
    %add3A_201 = arith.constant 16 : i32
    %add3A_202 = vector.broadcast %add3A_201 : i32 to vector<16xi32>
    %add3A_203 = arith.addi %add3A_202, %iota3A : vector<16xi32>
    %min3A_204 = arith.constant 31 : i32
    %min3A_205 = vector.broadcast %min3A_204 : i32 to vector<16xi32>
    %min3A_206 = arith.minsi %add3A_203, %min3A_205 : vector<16xi32>
    %and3A_207 = arith.constant 127 : i32
    %and3A_208 = vector.broadcast %and3A_207 : i32 to vector<16xi32>
    %and3A_209 = arith.andi %gather3A_74, %and3A_208 : vector<16xi32>
    %gather3A_210 = tpu.vector_load_idx %arg7[%min3A_206, %and3A_209] : memref<96x128xf32, #tpu.memory_space<vmem>>[vector<16xi32>, vector<16xi32>], vector<16xf32>,
    %add3A_211 = arith.constant 32 : i32
    %add3A_212 = vector.broadcast %add3A_211 : i32 to vector<16xi32>
    %add3A_213 = arith.addi %min3A_206, %add3A_212 : vector<16xi32>
    %gather3A_214 = tpu.vector_load_idx %arg7[%add3A_213, %and3A_209] : memref<96x128xf32, #tpu.memory_space<vmem>>[vector<16xi32>, vector<16xi32>], vector<16xf32>,
    %add3A_215 = arith.constant 64 : i32
    %add3A_216 = vector.broadcast %add3A_215 : i32 to vector<16xi32>
    %add3A_217 = arith.addi %min3A_206, %add3A_216 : vector<16xi32>
    %gather3A_218 = tpu.vector_load_idx %arg7[%add3A_217, %and3A_209] : memref<96x128xf32, #tpu.memory_space<vmem>>[vector<16xi32>, vector<16xi32>], vector<16xf32>,
    %convert_element_type3A_219 = arith.sitofp %gather3A_66 : vector<16xi32> to vector<16xf32>
    %add3A_220 = arith.addf %convert_element_type3A_219, %gather3A_210 : vector<16xf32>
    %sub3A_221 = arith.subf %add3A_220, %bitcast3A_79 : vector<16xf32>
    %mul3A_222 = arith.mulf %sub3A_221, %bitcast3A_148 : vector<16xf32>
    %convert_element_type3A_223 = arith.sitofp %gather3A_70 : vector<16xi32> to vector<16xf32>
    %add3A_224 = arith.addf %convert_element_type3A_223, %gather3A_214 : vector<16xf32>
    %sub3A_225 = arith.subf %add3A_224, %bitcast3A_87 : vector<16xf32>
    %mul3A_226 = arith.mulf %sub3A_225, %bitcast3A_151 : vector<16xf32>
    %convert_element_type3A_227 = arith.sitofp %gather3A_74 : vector<16xi32> to vector<16xf32>
    %add3A_228 = arith.addf %convert_element_type3A_227, %gather3A_218 : vector<16xf32>
    %sub3A_229 = arith.subf %add3A_228, %bitcast3A_95 : vector<16xf32>
    %mul3A_230 = arith.mulf %sub3A_229, %bitcast3A_154 : vector<16xf32>
    %mul3A_231 = arith.mulf %mul3A_222, %mul3A_222 : vector<16xf32>
    %mul3A_232 = arith.mulf %mul3A_226, %mul3A_226 : vector<16xf32>
    %add3A_233 = arith.addf %mul3A_231, %mul3A_232 : vector<16xf32>
    %mul3A_234 = arith.mulf %mul3A_230, %mul3A_230 : vector<16xf32>
    %add3A_235 = arith.addf %add3A_233, %mul3A_234 : vector<16xf32>
    %mul3A_236 = arith.constant 16 : i32
    %mul3A_237 = vector.broadcast %mul3A_236 : i32 to vector<16xi32>
    %mul3A_238 = arith.muli %add3A_203, %mul3A_237 : vector<16xi32>
    %add3A_239 = vector.broadcast %arg1 : i32 to vector<16xi32>
    %add3A_240 = arith.addi %mul3A_238, %add3A_239 : vector<16xi32>
    %lt3A_241 = arith.constant 300 : i32
    %lt3A_242 = vector.broadcast %lt3A_241 : i32 to vector<16xi32>
    %lt3A_243 = arith.cmpi slt, %add3A_240, %lt3A_242 : vector<16xi32>
    %jit3A_244 = arith.constant 0.000000e+00 : f32
    %broadcast_in_dim3A_245 = vector.broadcast %jit3A_244 : f32 to vector<16xf32>
    %select_n3A_246 = arith.select %lt3A_243, %add3A_235, %broadcast_in_dim3A_245 : vector<16xi1>, vector<16xf32>
    %add3A_247 = arith.addf %add3A_200, %select_n3A_246 : vector<16xf32>
    %swap3A_248 = arith.constant 0 : index
    %swap3A_249 = tpu.vector_load %arg8[%swap3A_248] {strides = array<i32>} : memref<16xf32, #tpu.memory_space<vmem>>, vector<16xf32>,
    tpu.vector_store %arg8[%swap3A_248], %add3A_247 {strides = array<i32>} : memref<16xf32, #tpu.memory_space<vmem>>, vector<16xf32>,
    %mul3A_250 = arith.constant 16 : i32
    %mul3A_251 = arith.muli %arg1, %mul3A_250 : i32
    "tpu.region"() ({
      %run_scoped3A = tpu.sem_alloc : memref<!tpu.dma_semaphore, #tpu.memory_space<semaphore_mem>>
      %dma_start3A = tpu.memref_slice %arg11[%mul3A_251] : memref<256xf32, #tpu.memory_space<vmem_shared>> -> memref<16xf32, #tpu.memory_space<vmem_shared>>
      %dma_start3A_255 = tpu.memref_slice %arg11[%mul3A_251] : memref<256xf32, #tpu.memory_space<vmem_shared>> -> memref<16xf32, #tpu.memory_space<vmem_shared>>
      tpu.enqueue_dma source(%arg8 : memref<16xf32, #tpu.memory_space<vmem>>) target(%dma_start3A_255 : memref<16xf32, #tpu.memory_space<vmem_shared>>) target_semaphore(%run_scoped3A : memref<!tpu.dma_semaphore, #tpu.memory_space<semaphore_mem>>)
      %dma_wait3A = tpu.memref_slice %arg11[%mul3A_251] : memref<256xf32, #tpu.memory_space<vmem_shared>> -> memref<16xf32, #tpu.memory_space<vmem_shared>>
      %dma_wait3A_256 = tpu.memref_slice %arg11[%mul3A_251] : memref<256xf32, #tpu.memory_space<vmem_shared>> -> memref<16xf32, #tpu.memory_space<vmem_shared>>
      tpu.wait_dma2 semaphore(%run_scoped3A : memref<!tpu.dma_semaphore, #tpu.memory_space<semaphore_mem>>) src(%arg8 : memref<16xf32, #tpu.memory_space<vmem>>) dst(%dma_wait3A_256 : memref<16xf32, #tpu.memory_space<vmem_shared>>)
      tpu.yield
    }) : () -> ()
    %barrier3A = arith.constant 0 : index
    tpu.barrier barrier_id(%barrier3A)
    %eq3A = arith.constant 0 : i32
    %eq3A_252 = arith.cmpi eq, %arg1, %eq3A : i32
    %convert_element_type3A_253 = arith.extui %eq3A_252 : i1 to i32
    %cond3A = arith.constant 0 : i32
    %cond3A_254 = arith.cmpi ne, %convert_element_type3A_253, %cond3A : i32
    scf.if %cond3A_254 {
      "tpu.region"() ({
        %run_scoped3A = tpu.sem_alloc : memref<!tpu.dma_semaphore, #tpu.memory_space<semaphore_mem>>
        tpu.enqueue_dma source(%arg11 : memref<256xf32, #tpu.memory_space<vmem_shared>>) target(%arg9 : memref<256xf32, #tpu.memory_space<vmem>>) target_semaphore(%run_scoped3A : memref<!tpu.dma_semaphore, #tpu.memory_space<semaphore_mem>>)
        tpu.wait_dma2 semaphore(%run_scoped3A : memref<!tpu.dma_semaphore, #tpu.memory_space<semaphore_mem>>) src(%arg11 : memref<256xf32, #tpu.memory_space<vmem_shared>>) dst(%arg9 : memref<256xf32, #tpu.memory_space<vmem>>)
        tpu.yield
      }) : () -> ()
      %broadcast_in_dim3A_255 = arith.constant 0.000000e+00 : f32
      %broadcast_in_dim3A_256 = vector.broadcast %broadcast_in_dim3A_255 : f32 to vector<16xf32>
      %scan3A = arith.constant 0 : i32
      %scan3A_257 = arith.constant 16 : i32
      %scan3A_258 = arith.addi %scan3A, %scan3A_257 : i32
      %scan3A_259 = arith.constant 1 : i32
      %scan3A_260 = scf.for %scan3A_312 = %scan3A to %scan3A_258 step %scan3A_259 iter_args(%scan3A_313 = %broadcast_in_dim3A_256) -> (vector<16xf32>)  : i32 {
        %mul3A_314 = arith.constant 16 : i32
        %mul3A_315 = arith.muli %scan3A_312, %mul3A_314 : i32
        %add3A_316 = vector.broadcast %mul3A_315 : i32 to vector<16xi32>
        %add3A_317 = arith.addi %add3A_316, %iota3A : vector<16xi32>
        %gather3A_318 = tpu.vector_load_idx %arg9[%add3A_317] : memref<256xf32, #tpu.memory_space<vmem>>[vector<16xi32>], vector<16xf32>,
        %add3A_319 = arith.addf %scan3A_313, %gather3A_318 : vector<16xf32>
        scf.yield %add3A_319 : vector<16xf32>
      }
      %scan3A_261 = arith.constant 16 : i32
      %slice3A = vector.extract_strided_slice %scan3A_260 {offsets = [0], sizes = [1], strides = [1]} : vector<16xf32> to vector<1xf32>
      %squeeze3A = vector.extract %slice3A[0] : f32 from vector<1xf32>
      %slice3A_262 = vector.extract_strided_slice %scan3A_260 {offsets = [1], sizes = [1], strides = [1]} : vector<16xf32> to vector<1xf32>
      %squeeze3A_263 = vector.extract %slice3A_262[0] : f32 from vector<1xf32>
      %add3A_264 = arith.addf %squeeze3A, %squeeze3A_263 : f32
      %slice3A_265 = vector.extract_strided_slice %scan3A_260 {offsets = [2], sizes = [1], strides = [1]} : vector<16xf32> to vector<1xf32>
      %squeeze3A_266 = vector.extract %slice3A_265[0] : f32 from vector<1xf32>
      %add3A_267 = arith.addf %add3A_264, %squeeze3A_266 : f32
      %slice3A_268 = vector.extract_strided_slice %scan3A_260 {offsets = [3], sizes = [1], strides = [1]} : vector<16xf32> to vector<1xf32>
      %squeeze3A_269 = vector.extract %slice3A_268[0] : f32 from vector<1xf32>
      %add3A_270 = arith.addf %add3A_267, %squeeze3A_269 : f32
      %slice3A_271 = vector.extract_strided_slice %scan3A_260 {offsets = [4], sizes = [1], strides = [1]} : vector<16xf32> to vector<1xf32>
      %squeeze3A_272 = vector.extract %slice3A_271[0] : f32 from vector<1xf32>
      %add3A_273 = arith.addf %add3A_270, %squeeze3A_272 : f32
      %slice3A_274 = vector.extract_strided_slice %scan3A_260 {offsets = [5], sizes = [1], strides = [1]} : vector<16xf32> to vector<1xf32>
      %squeeze3A_275 = vector.extract %slice3A_274[0] : f32 from vector<1xf32>
      %add3A_276 = arith.addf %add3A_273, %squeeze3A_275 : f32
      %slice3A_277 = vector.extract_strided_slice %scan3A_260 {offsets = [6], sizes = [1], strides = [1]} : vector<16xf32> to vector<1xf32>
      %squeeze3A_278 = vector.extract %slice3A_277[0] : f32 from vector<1xf32>
      %add3A_279 = arith.addf %add3A_276, %squeeze3A_278 : f32
      %slice3A_280 = vector.extract_strided_slice %scan3A_260 {offsets = [7], sizes = [1], strides = [1]} : vector<16xf32> to vector<1xf32>
      %squeeze3A_281 = vector.extract %slice3A_280[0] : f32 from vector<1xf32>
      %add3A_282 = arith.addf %add3A_279, %squeeze3A_281 : f32
      %slice3A_283 = vector.extract_strided_slice %scan3A_260 {offsets = [8], sizes = [1], strides = [1]} : vector<16xf32> to vector<1xf32>
      %squeeze3A_284 = vector.extract %slice3A_283[0] : f32 from vector<1xf32>
      %add3A_285 = arith.addf %add3A_282, %squeeze3A_284 : f32
      %slice3A_286 = vector.extract_strided_slice %scan3A_260 {offsets = [9], sizes = [1], strides = [1]} : vector<16xf32> to vector<1xf32>
      %squeeze3A_287 = vector.extract %slice3A_286[0] : f32 from vector<1xf32>
      %add3A_288 = arith.addf %add3A_285, %squeeze3A_287 : f32
      %slice3A_289 = vector.extract_strided_slice %scan3A_260 {offsets = [10], sizes = [1], strides = [1]} : vector<16xf32> to vector<1xf32>
      %squeeze3A_290 = vector.extract %slice3A_289[0] : f32 from vector<1xf32>
      %add3A_291 = arith.addf %add3A_288, %squeeze3A_290 : f32
      %slice3A_292 = vector.extract_strided_slice %scan3A_260 {offsets = [11], sizes = [1], strides = [1]} : vector<16xf32> to vector<1xf32>
      %squeeze3A_293 = vector.extract %slice3A_292[0] : f32 from vector<1xf32>
      %add3A_294 = arith.addf %add3A_291, %squeeze3A_293 : f32
      %slice3A_295 = vector.extract_strided_slice %scan3A_260 {offsets = [12], sizes = [1], strides = [1]} : vector<16xf32> to vector<1xf32>
      %squeeze3A_296 = vector.extract %slice3A_295[0] : f32 from vector<1xf32>
      %add3A_297 = arith.addf %add3A_294, %squeeze3A_296 : f32
      %slice3A_298 = vector.extract_strided_slice %scan3A_260 {offsets = [13], sizes = [1], strides = [1]} : vector<16xf32> to vector<1xf32>
      %squeeze3A_299 = vector.extract %slice3A_298[0] : f32 from vector<1xf32>
      %add3A_300 = arith.addf %add3A_297, %squeeze3A_299 : f32
      %slice3A_301 = vector.extract_strided_slice %scan3A_260 {offsets = [14], sizes = [1], strides = [1]} : vector<16xf32> to vector<1xf32>
      %squeeze3A_302 = vector.extract %slice3A_301[0] : f32 from vector<1xf32>
      %add3A_303 = arith.addf %add3A_300, %squeeze3A_302 : f32
      %slice3A_304 = vector.extract_strided_slice %scan3A_260 {offsets = [15], sizes = [1], strides = [1]} : vector<16xf32> to vector<1xf32>
      %squeeze3A_305 = vector.extract %slice3A_304[0] : f32 from vector<1xf32>
      %add3A_306 = arith.addf %add3A_303, %squeeze3A_305 : f32
      %mul3A_307 = arith.constant 0.00333333341 : f32
      %mul3A_308 = arith.mulf %add3A_306, %mul3A_307 : f32
      %broadcast_in_dim3A_309 = vector.broadcast %mul3A_308 : f32 to vector<16xf32>
      %swap3A_310 = arith.constant 0 : index
      %swap3A_311 = tpu.vector_load %arg10[%swap3A_310] {strides = array<i32>} : memref<16xf32, #tpu.memory_space<vmem>>, vector<16xf32>,
      tpu.vector_store %arg10[%swap3A_310], %broadcast_in_dim3A_309 {strides = array<i32>} : memref<16xf32, #tpu.memory_space<vmem>>, vector<16xf32>,
      "tpu.region"() ({
        %run_scoped3A = tpu.sem_alloc : memref<!tpu.dma_semaphore, #tpu.memory_space<semaphore_mem>>
        tpu.enqueue_dma source(%arg10 : memref<16xf32, #tpu.memory_space<vmem>>) target(%arg4 : memref<16xf32, #tpu.memory_space<hbm>>) target_semaphore(%run_scoped3A : memref<!tpu.dma_semaphore, #tpu.memory_space<semaphore_mem>>)
        tpu.wait_dma2 semaphore(%run_scoped3A : memref<!tpu.dma_semaphore, #tpu.memory_space<semaphore_mem>>) src(%arg10 : memref<16xf32, #tpu.memory_space<vmem>>) dst(%arg4 : memref<16xf32, #tpu.memory_space<hbm>>)
        tpu.yield
      }) : () -> ()
    } else {
    }
    return
  }
}

</mosaic_0001>

<sc_bundles>
// kernel: _tre.3.cloned.1.call-start
scs
__scs_entry_jumppad:
0x0: {  	(pc) =	sbr.rel $0x88, $3  }
0x1: {  	(tag) =	ssettag $0x0;
	lr =	simm.s32 $0x1  }
0x2: {  	[smem:$0x3F9F] =	sst lr;
	_ =	strace $0xD0000000  }
0x3: {  	_ = 	snop  }
0x4: {  	_ = 	snop  }
0x5: {  	_ = 	snop  }
0x6: {  	_ = 	snop  }
0x7: {  	_ = 	snop  }
__scs_overlays_trampoline_lowered:
0x8: {  	[smem:$0x3FAE] =	sst s0  }
0x9: {  	[smem:$0x3FAF] =	sst s1  }
0xa: {  	[smem:$0x3FB0] =	sst s2  }
0xb: {  	[smem:$0x3FB1] =	sst s3  }
0xc: {  	[smem:$0x3FB2] =	sst s4  }
0xd: {  	[smem:$0x3FB3] =	sst s5  }
0xe: {  	[smem:$0x3FB4] =	sst s6  }
0xf: {  	[smem:$0x3FB5] =	sst s7  }
0x10: {  	[smem:$0x3FB6] =	sst s8  }
0x11: {  	[smem:$0x3FB7] =	sst s9;
	s0 =	simm.s32 @!p0 $0x0  }
0x12: {  	s1 =	sld [smem:$0x3F9D];
	s0 =	simm.s32 @p0 $0x1  }
0x13: {  	[smem:$0x3FB8] =	sst s0;
	s0 =	simm.s32 @!p1 $0x0  }
0x14: {  	s2 =	sld [smem:$0x3F9C];
	s0 =	simm.s32 @p1 $0x1  }
0x15: {  	[smem:$0x3FB9] =	sst s0;
	s0 =	simm.s32 @!p2 $0x0  }
0x16: {  	s3 =	sld [smem:$0x3FDB];
	s0 =	simm.s32 @p2 $0x1  }
0x17: {  	s4 =	simm.s32 $0x1BF5;
	[smem:$0x3FBB] =	sst s0  }
0x18: {  	s0 =	sld [smem:$0x3F9E];
	_ =	swait.ge [sflag:s4], $0x0  }
0x19: {  	s7 =	sld [smem:$0x3F9F]  }
0x1a: {  	s8 =	sadd.s32 $0xFFFFE003, lr  }
0x1b: {  	s9 =	sadd.s32 $0xFFFFFEF7, lr;
	s5 =	simm.s32 $0xFFFFFFFF;
	p2 =	slt.u32 s8, $0xFFFFF086  }
0x1c: {  	p1 =	slt.u32 s9, $0xF7A;
	s5 =	simm.s32 @!p2 $0x0  }
0x1d: {  	s5 =	simm.s32 @p1 $0x1;
	p0 =	seq.s32 s7, s2  }
0x1e: {  	s7 =	smul.u32 @!p0 $0xF7A, s2;
	p2 =	seq.s32 @!p0 s5, $0x0  }
0x1f: {  	s9 =	smul.u32 $0xF7A, s1;
	s8 =	simm.s32 @!p0 $0x1BF5;
	p2 =	por !p2, p0  }
0x20: {  	[sflag:s8] =	ssyncset.s32 @!p0 $0xFFFFF086;
	s6 =	sadd.s32 @!p0 s3, s7;
	s7 =	simm.s32 @!p0 $0x108  }
0x21: {  	s3 =	sadd.s32 s3, s9;
	s6 =	sadd.s32 @!p0 $0x88, s6;
	s7 =	simm.s32 @p2 $0x1082  }
0x22: {  	[simem:s7], [sflag:s8] =	dma.local @!p0 [hbm:s6], $0xF7A  }
0x23: {  	s9 =	sor.u32 $0xD0000000, s2;
	s6 =	simm.s32 $0x108;
	_ =	swait.ge @!p0 [sflag:s8], $0x0  }
0x24: {  	s3 =	sadd.s32 $0x88, s3;
	s6 =	simm.s32 @!p1 $0x1082;
	[sflag:s4] =	ssyncset.s32 $0xFFFFF086  }
0x25: {  	[simem:s6], [sflag:s4] =	dma.local [hbm:s3], $0xF7A  }
0x26: {  	[smem:$0x3F9F] =	sst s1;
	(tag) =	ssettag s2;
	_ =	strace s9  }
0x27: {  	s1 =	sld [smem:$0x3FAF]  }
0x28: {  	s2 =	sld [smem:$0x3FB0]  }
0x29: {  	s4 =	sld [smem:$0x3FB2]  }
0x2a: {  	p0 =	seq.s32 s5, $0x0;
	s5 =	sld [smem:$0x3FB3]  }
0x2b: {  	s6 =	sld [smem:$0x3FB4]  }
0x2c: {  	s7 =	sld [smem:$0x3FB5]  }
0x2d: {  	s3 =	simm.s32 $0x108;
	s8 =	sld [smem:$0x3FB6]  }
0x2e: {  	s3 =	simm.s32 @!p0 $0x1082;
	s9 =	sld [smem:$0x3FB7]  }
0x2f: {  	lr =	sadd.s32 s0, s3;
	s0 =	sld [smem:$0x3FAE]  }
0x30: {  	s3 =	sld [smem:$0x3FB1]  }
0x31: {  	[smem:$0x3FBA] =	sst s10  }
0x32: {  	s10 =	sld [smem:$0x3FB8];
	_ =	sdelay $0x3  }
0x33: {  	p0 =	seq.s32 s10, $0x1;
	s10 =	sld [smem:$0x3FBA];
	_ =	sdelay $0x3  }
0x34: {  	[smem:$0x3FBA] =	sst s10  }
0x35: {  	s10 =	sld [smem:$0x3FB9];
	_ =	sdelay $0x3  }
0x36: {  	p1 =	seq.s32 s10, $0x1;
	s10 =	sld [smem:$0x3FBA];
	_ =	sdelay $0x3  }
0x37: {  	[smem:$0x3FBA] =	sst s10  }
0x38: {  	s10 =	sld [smem:$0x3FBB]  }
0x39: {  	_ = 	snop;
	(pc) =	sbr.ind lr, $3  }
0x3a: {  	_ = 	snop  }
0x3b: {  	_ = 	snop  }
0x3c: {  	p2 =	seq.s32 s10, $0x1;
	s10 =	sld [smem:$0x3FBA]  }
0x3d: {  	_ =	shalt  }
0x3e: {  	_ =	shalt  }
0x3f: {  	_ =	shalt  }
0x40: {  	_ =	shalt  }
0x41: {  	_ =	shalt  }
0x42: {  	_ =	shalt  }
0x43: {  	_ =	shalt  }
0x44: {  	_ =	shalt  }
0x45: {  	_ =	shalt  }
0x46: {  	_ =	shalt  }
0x47: {  	_ =	shalt  }
0x48: {  	_ =	shalt  }
0x49: {  	_ =	shalt  }
0x4a: {  	_ =	shalt  }
0x4b: {  	_ =	shalt  }
0x4c: {  	_ =	shalt  }
0x4d: {  	_ =	shalt  }
0x4e: {  	_ =	shalt  }
0x4f: {  	_ =	shalt  }
0x50: {  	_ =	shalt  }
0x51: {  	_ =	shalt  }
0x52: {  	_ =	shalt  }
0x53: {  	_ =	shalt  }
0x54: {  	_ =	shalt  }
0x55: {  	_ =	shalt  }
0x56: {  	_ =	shalt  }
0x57: {  	_ =	shalt  }
0x58: {  	_ =	shalt  }
0x59: {  	_ =	shalt  }
0x5a: {  	_ =	shalt  }
0x5b: {  	_ =	shalt  }
0x5c: {  	_ =	shalt  }
0x5d: {  	_ =	shalt  }
0x5e: {  	_ =	shalt  }
0x5f: {  	_ =	shalt  }
0x60: {  	_ =	shalt  }
0x61: {  	_ =	shalt  }
0x62: {  	_ =	shalt  }
0x63: {  	_ =	shalt  }
0x64: {  	_ =	shalt  }
0x65: {  	_ =	shalt  }
0x66: {  	_ =	shalt  }
0x67: {  	_ =	shalt  }
0x68: {  	_ =	shalt  }
0x69: {  	_ =	shalt  }
0x6a: {  	_ =	shalt  }
0x6b: {  	_ =	shalt  }
0x6c: {  	_ =	shalt  }
0x6d: {  	_ =	shalt  }
0x6e: {  	_ =	shalt  }
0x6f: {  	_ =	shalt  }
0x70: {  	_ =	shalt  }
0x71: {  	_ =	shalt  }
0x72: {  	_ =	shalt  }
0x73: {  	_ =	shalt  }
0x74: {  	_ =	shalt  }
0x75: {  	_ =	shalt  }
0x76: {  	_ =	shalt  }
0x77: {  	_ =	shalt  }
0x78: {  	_ =	shalt  }
0x79: {  	_ =	shalt  }
0x7a: {  	_ =	shalt  }
0x7b: {  	_ =	shalt  }
0x7c: {  	_ =	shalt  }
0x7d: {  	_ =	shalt  }
0x7e: {  	_ =	shalt  }
0x7f: {  	_ =	shalt  }
0x80: {  	_ =	shalt  }
0x81: {  	_ =	shalt  }
0x82: {  	_ =	shalt  }
0x83: {  	_ =	shalt  }
0x84: {  	_ =	shalt  }
0x85: {  	_ =	shalt  }
0x86: {  	_ =	shalt  }
0x87: {  	_ =	shalt  }
.Lfunc_end0:
.L_simem_size_0:
called_computation_lowered:
.L_overlay_start_0:
0x88: {  	s0 =	sld [smem:$0x3FD9]  }
0x89: {  	s1 =	sld [smem:$0x3FFE];
	_ =	sdelay $0x3  }
0x8a: {  	s0 =	sadd.s32 s1, s0  }
0x8b: {  	[smem:$0x3FC6] =	sst s0  }
0x8c: {  	_ = 	snop  }
0x8d: {  	s0 =	sld [smem:$0x3FC8]  }
0x8e: {  	s16 =	sld [smem:$0x3FD0];
	(tm) =	ssettm $0x1  }
0x8f: {  	s2 =	sld [smem:$0x3FFB];
	_ =	sdelay $0x3  }
0x90: {  	_ =	strace s2  }
0x91: {  	s2 =	sld [smem:$0x3FFC];
	_ =	sdelay $0x3  }
0x92: {  	_ =	strace s2  }
0x93: {  	s2 =	sld [smem:$0x3FFD];
	_ =	sdelay $0x3  }
0x94: {  	_ =	strace s2  }
0x95: {  	_ =	strace $0x8FFFFFFF  }
0x96: {  	s17 =	sld [smem:$0x3FDB];
	_ =	sdelay $0x1  }
0x97: {  	s3 =	simm.s32 $_scs_section_size  }
0x98: {  	s4 =	simm.s32 $_size__tile_overlayer_lowered;
	s5 =	simm.s32 $_tile_overlayer_lowered  }
0x99: {  	s20 =	simm.s32 $0x1BFF;
	s19 =	sshll.u32 s5, $0x1;
	s2 =	sadd.s32 s3, s17  }
0x9a: {  	s6 =	simm.s32 $0x0;
	s18 =	sshll.u32 s4, $0x1;
	s4 =	sadd.s32 s19, s2  }
0x9b: {  	[timem:s6], [sflag:s20] =	dma.local [hbm:s4], s18  }
0x9c: {  	_ =	swait.ge [sflag:s20], s18  }
0x9d: {  	s3 =	ssub.s32 $0x0, s18;
	[sflag:s20] =	ssyncset.done $0x0  }
0x9e: {  	[sflag:s20] =	ssyncadd.s32 s3;
	_ =	sdelay $0x1  }
0x9f: {  	s21 =	simm.s32 $0x1B8B  }
0xa0: {  	_ =	swait.ge [sflag:s21], $0x1  }
0xa1: {  	[sflag:s21] =	ssyncset.done $0x0  }
0xa2: {  	s23 =	simm.s32 $0x1B8E;
	s22 =	sld [smem:$0x3FFE];
	[sflag:s21] =	ssyncadd.s32 $0xFFFFFFFF  }
0xa3: {  	s24 =	simm.s32 $execute0_lowered;
	[smem:$0x3FD2] =	sst s23  }
0xa4: {  	s4 =	sshll.u32 s24, $0x1;
	_ =	strace $0x80000046;
	[dreg:$0x1] =	wrdreg $0xFFFFFFFF  }
0xa5: {  	s25 =	simm.s32 $_size_execute0_lowered;
	s2 =	sadd.s32 s2, s4;
	[dreg:$0x0] =	wrdreg $0x0  }
0xa6: {  	s4 =	sshll.u32 s25, $0x1;
	[dreg:$0x2] =	wrdreg s2  }
0xa7: {  	[dreg:$0x3] =	wrdreg s4  }
0xa8: {  	[dreg:$0x4] =	wrdreg $0xC0  }
0xa9: {  	_ =	task [dreg:s6], $0x5FFFF  }
0xaa: {  	[dreg:$0x1] =	wrdreg $0xFFFFFFFF  }
0xab: {  	[dreg:$0x0] =	wrdreg $0x60  }
0xac: {  	[dreg:$0x2] =	wrdreg s22  }
0xad: {  	[dreg:$0x3] =	wrdreg s0  }
0xae: {  	[dreg:$0x4] =	wrdreg s16  }
0xaf: {  	[dreg:$0x5] =	wrdreg $0x3A000  }
0xb0: {  	[dreg:$0x6] =	wrdreg $0x9  }
0xb1: {  	_ =	task.clear_ibuf [dreg:s6], $0x7FFFF;
	_ =	strace $0x90000046  }
0xb2: {  	s26 =	simm.s32 $0x9;
	_ =	strace $0x80000048  }
0xb3: {  	_ =	swait.ge [sflag:s26], $0x1  }
0xb4: {  	[sflag:s26] =	ssyncadd.s32 $0xFFFFFFFF  }
0xb5: {  	_ =	strace $0x90000048  }
0xb6: {  	_ =	sfence  }
0xb7: {  	s28 =	sld [smem:$0x0];
	_ =	sdelay $0x1  }
0xb8: {  	s29 =	srdreg.scid  }
0xb9: {  	s30 =	sshll.u32 s29, $0xD;
	s31 =	sshrl.u32 s29, $0x2  }
0xba: {  	s1 =	sand.u32 $0x1, s29;
	s2 =	sand.u32 $0x4000, s30;
	s0 =	sadd.s32 s31, s28  }
0xbb: {  	s1 =	sor.u32 s2, s1;
	s0 =	sshll.u32 s0, $0x11  }
0xbc: {  	s0 =	sor.u32 s0, s1  }
0xbd: {  	s0 =	sadd.s32 $0x8F2B, s0  }
0xbe: {  	[sflag:s0] =	ssyncadd.remote.s32 $0x1  }
0xbf: {  	_ =	sfence.sel $0xFFFF  }
0xc0: {  	[dreg:$0x0] =	wrdreg $0xFFFFFFFF;
	(pc) =	sbr.abs _section_cstart, $3  }
0xc1: {  	[dreg:$0x1] =	wrdreg $0xFFFFFFFF  }
0xc2: {  	_ =	task.clear_ibuf [dreg:s6], $0x2FFFF;
	_ =	strace $0x9FFFFFFF  }
0xc3: {  	(tm) =	ssettm $0x7FFFFFFF  }
tec
execute0_lowered:
.L_overlay_start_1:
0x0: {  	(tag) =	ssettag $0x1  }
0x1: {  	s6 =	rddreg [dreg:$0x0]  }
0x2: {  	s5 =	rddreg [dreg:$0x1]  }
0x3: {  	s1 =	rddreg [dreg:$0x2];
	v0 =	vlaneseq.u32  }
0x4: {  	s2 =	rddreg [dreg:$0x3];
	s4 =	simm.s32 $0x0;
	v0 =	vmul.u32 $0x10, v0  }
0x5: {  	s3 =	stileid.u32;
	[smem:$0x7FF] =	sst s4  }
0x6: {  	s0 =	rddreg [dreg:$0x4];
	s31 =	simm.s32 $0x2;
	_ =	strace $0x80000047;
	v1 =	vor.u32 s3, v0;
	v2 =	vadd.s32 $0x130, v0  }
0x7: {  	[tilespmem:s4], [sflag:$0x2] =	stream.linear.gather [hbm4b:s5+s4], $0x780, $0x38;
	v2 =	vor.u32 s3, v2;
	[tilespmem:$0x3A10] =	vst v63  }
0x8: {  	_ =	swait.ge [sflag:s31], $0x780  }
0x9: {  	v3 =	vadd.s32 $0x260, v0;
	[sflag:s31] =	ssyncset.done $0x0  }
0xa: {  	v4 =	vadd.s32 $0x390, v0;
	v3 =	vor.u32 s3, v3;
	[sflag:s31] =	ssyncadd.s32 $0xFFFFF880  }
0xb: {  	v6 =	vadd.s32 $0x4C0, v0;
	v4 =	vor.u32 s3, v4;
	v5 =	vld.idx.msk [tilespmem:v1+s4+$0x0], $0xffff  }
0xc: {  	v7 =	vadd.s32 $0x5F0, v0;
	v1 =	vor.u32 s3, v6;
	v6 =	vld.idx.msk [tilespmem:v2+s4+$0x0], $0xffff  }
0xd: {  	v7 =	vor.u32 s3, v7;
	_ =	sdelay $0x1  }
0xe: {  	v0 =	vor.u32 $0x100, v0;
	v2 =	vld.idx.msk [tilespmem:v3+s4+$0x0], $0xffff  }
0xf: {  	v0 =	vor.u32 s3, v0;
	v3 =	vld.idx.msk [tilespmem:v4+s4+$0x0], $0xffff;
	v8 =	vmul.u32 $0x14, v5  }
0x10: {  	v9 =	vmin.u32 v0, $0x12F;
	v4 =	vld.idx.msk [tilespmem:v1+s4+$0x0], $0xffff;
	v10 =	vshra.s32 v6, $0x3  }
0x11: {  	v11 =	vadd.s32 $0x130, v9;
	v1 =	vld.idx.msk [tilespmem:v7+s4+$0x0], $0xffff;
	v7 =	vadd.s32 v8, v10  }
0x12: {  	[tilespmem:$0x780] =	vst v7;
	v7 =	vand.u32 $0x7, v6  }
0x13: {  	[tilespmem:$0x7A0] =	vst v7;
	v7 =	vand.u32 $0xFFFFFF80, v2  }
0x14: {  	v8 =	vadd.s32 $0x260, v9;
	[tilespmem:$0x7C0] =	vst v7  }
0x15: {  	v10 =	vld.idx.msk [tilespmem:v9+s4+$0x0], $0xffff  }
0x16: {  	v13 =	vor.u32 $0x4C0, v9;
	v12 =	vld.idx.msk [tilespmem:v11+s4+$0x0], $0xffff  }
0x17: {  	v7 =	vadd.s32 $0x390, v9  }
0x18: {  	p0 =	slt.u32 s3, $0xC;
	s5 =	simm.s32 $0x13;
	v9 =	vadd.s32 $0x5F0, v9  }
0x19: {  	s5 =	simm.s32 @!p0 $0x12;
	v11 =	vld.idx.msk [tilespmem:v8+s4+$0x0], $0xffff  }
0x1a: {  	p1 =	sne.s32 s5, $0x1;
	v14 =	vmul.u32 $0x14, v10  }
.Ltmp0:
0x1b: {  	v15 =	vimm.s32 $0x40402000;
	v8 =	vld.idx.msk [tilespmem:v13+s4+$0x0], $0xffff;
	v13 =	vshra.s32 v12, $0x3;
	(pc) =	sbr.rel @!p1 .LBB2_1-.Ltmp0, $4  }
0x1c: {  	v7 =	vld.idx.msk [tilespmem:v7+s4+$0x0], $0xffff;
	v13 =	vadd.s32 v14, v13;
	v14 =	vunpack.c.0.s8.s32 v15  }
0x1d: {  	vm0 =	vcmask $0xF00;
	v9 =	vld.idx.msk [tilespmem:v9+s4+$0x0], $0xffff;
	[tilespmem:$0x790] =	vst v13;
	v13 =	vand.u32 $0x7, v12  }
0x1e: {  	s7 =	simm.s32 $0x2800;
	s8 =	simm.s32 $0x780;
	[tilespmem:$0x7B0] =	vst v13;
	v13 =	vnsel vm0, $0x40, v14;
	v14 =	vand.u32 $0xFFFFFF80, v11  }
0x1f: {  	s9 =	simm.s32 $0x1;
	s6 =	sadd.s32 $0x400, s6;
	p0 =	por $0x0, $0x0;
	[tilespmem:$0x7D0] =	vst v14;
	v14 =	vadd.s32 s4, v13  }
0x20: {  	_ =	sdelay $0x3  }
0x21: {  	v14 =	vld.idx.msk [tilespmem:v14+s8+$0x0], $0xffff;
	_ =	sdelay $0x4  }
0x22: {  	(v2sf) =	vpush v14, $0x0  }
0x23: {  	(v2sf) =	vpush v14, $0x1  }
0x24: {  	(v2sf) =	vpush v14, $0x2;
	_ =	sdelay $0xc  }
0x25: {  	s10 =	spop (v2sf)  }
0x26: {  	s11 =	spop (v2sf)  }
0x27: {  	s12 =	sshll.u32 s11, $0x8;
	s13 =	spop (v2sf)  }
0x28: {  	s10 =	sshll.u32 s10, $0xB;
	s12 =	sand.u32 $0xFFFFF800, s12;
	s13 =	sshll.u32 s13, $0x3  }
0x29: {  	s11 =	sshll.u32 s11, $0x7;
	s13 =	sand.u32 $0xFFFFFC00, s13;
	s10 =	sadd.s32 s10, s12  }
0x2a: {  	s29 =	simm.s32 $0x800;
	s11 =	sand.u32 $0x380, s11;
	s10 =	sadd.s32 s13, s10  }
0x2b: {  	s31 =	simm.s32 $0x1800;
	p1 =	sne.s32 s5, $0x2;
	s10 =	sor.u32 s11, s10  }
0x2c: {  	p0 =	por $0x1, $0x1;
	s11 =	sshrl.u32 s10, $0x3;
	s28 =	sadd.s32 $0x780000, s10  }
.Ltmp1:
0x2d: {  	s11 =	sadd.s32 s6, s11;
	s12 =	sshrl.u32 s28, $0x3;
	(pc) =	sbr.rel @!p1 .LBB2_3-.Ltmp1, $4  }
0x2e: {  	[tilespmem:s29], [sflag:$0x1] =	stream.linear.gather [hbm4b:s11+s4], $0x80, $0x38;
	[tilespmem:$0x3A10] =	vst v63  }
0x2f: {  	v14 =	vadd.s32 s9, v13;
	s9 =	simm.s32 $0x2800;
	s30 =	sadd.s32 $0xF00000, s10;
	s12 =	sadd.s32 s6, s12  }
0x30: {  	[tilespmem:s31], [sflag:$0x1] =	stream.linear.gather [hbm4b:s12+s4], $0x80, $0x38;
	[tilespmem:$0x3A10] =	vst v63  }
0x31: {  	s10 =	simm.s32 $0x2;
	s11 =	simm.s32 $0x2800;
	s12 =	sshrl.u32 s30, $0x3  }
.LBB2_4:
0x32: {  	s12 =	sadd.s32 s6, s12  }
0x33: {  	s9 =	sadd.s32 $0x80, s9;
	s13 =	smov.u32 s10;
	s10 =	sadd.s32 $0x1, s10  }
0x34: {  	[tilespmem:s11], [sflag:$0x1] =	stream.linear.gather [hbm4b:s12+s4], $0x80, $0x38;
	[tilespmem:$0x3A10] =	vst v63  }
0x35: {  	p1 =	sne.s32 s5, s10;
	s11 =	smov.u32 s9;
	v14 =	vld.idx.msk [tilespmem:v14+s8+$0x0], $0xffff;
	_ =	sdelay $0x5  }
0x36: {  	(v2sf) =	vpush v14, $0x0  }
0x37: {  	(v2sf) =	vpush v14, $0x1  }
0x38: {  	(v2sf) =	vpush v14, $0x2;
	_ =	sdelay $0xc  }
0x39: {  	s12 =	spop (v2sf)  }
0x3a: {  	s14 =	spop (v2sf)  }
0x3b: {  	s15 =	sshll.u32 s14, $0x8;
	s14 =	sshll.u32 s14, $0x7;
	s16 =	spop (v2sf)  }
0x3c: {  	s12 =	sshll.u32 s12, $0xB;
	s15 =	sand.u32 $0xFFFFF800, s15;
	s16 =	sshll.u32 s16, $0x3  }
0x3d: {  	s16 =	sand.u32 $0xFFFFFC00, s16;
	s12 =	sadd.s32 s12, s15  }
0x3e: {  	s14 =	sand.u32 $0x380, s14;
	s12 =	sadd.s32 s16, s12  }
0x3f: {  	s12 =	sor.u32 s14, s12;
	s14 =	sadd.s32 $0xFFFFE000, s9  }
.Ltmp2:
0x40: {  	s15 =	sshrl.u32 s12, $0x3;
	s16 =	sadd.s32 $0x780000, s12;
	(pc) =	sbr.rel @p1 .LBB2_4-.Ltmp2, $4  }
0x41: {  	s12 =	sadd.s32 $0xF00000, s12;
	s15 =	sadd.s32 s6, s15;
	s16 =	sshrl.u32 s16, $0x3  }
0x42: {  	v14 =	vadd.s32 s13, v13;
	[tilespmem:s14], [sflag:$0x1] =	stream.linear.gather [hbm4b:s15+s4], $0x80, $0x38;
	[tilespmem:$0x3A10] =	vst v63  }
0x43: {  	s13 =	sadd.s32 $0xFFFFF000, s9;
	s12 =	sshrl.u32 s12, $0x3;
	s14 =	sadd.s32 s6, s16  }
0x44: {  	[tilespmem:s13], [sflag:$0x1] =	stream.linear.gather [hbm4b:s14+s4], $0x80, $0x38;
	[tilespmem:$0x3A10] =	vst v63  }
.LBB2_5:
0x45: {  	_ =	sdelay $0x1  }
0x46: {  	s10 =	sadd.s32 @p0 s6, s12  }
0x47: {  	[tilespmem:s11], [sflag:$0x1] =	stream.linear.gather @p0 [hbm4b:s10+s4], $0x80, $0x38;
	[tilespmem:$0x3A10] =	vst v63  }
0x48: {  	v13 =	vld.idx.msk [tilespmem:v14+s8+$0x0], $0xffff;
	_ =	sdelay $0x4  }
0x49: {  	(v2sf) =	vpush v13, $0x0  }
0x4a: {  	(v2sf) =	vpush v13, $0x1  }
0x4b: {  	(v2sf) =	vpush v13, $0x2;
	_ =	sdelay $0xc  }
0x4c: {  	s22 =	spop (v2sf)  }
0x4d: {  	s23 =	spop (v2sf)  }
0x4e: {  	s9 =	sadd.s32 @p0 $0x80, s9;
	s24 =	sshll.u32 s23, $0x8;
	s25 =	spop (v2sf)  }
0x4f: {  	s8 =	sshll.u32 s22, $0xB;
	s11 =	sand.u32 $0xFFFFF800, s24;
	s12 =	sshll.u32 s25, $0x3  }
0x50: {  	s10 =	sshll.u32 s23, $0x7;
	s8 =	sadd.s32 s8, s11;
	s26 =	sand.u32 $0xFFFFFC00, s12  }
0x51: {  	s7 =	smov.u32 @p0 s9;
	s10 =	sand.u32 $0x380, s10;
	s8 =	sadd.s32 s26, s8  }
0x52: {  	s5 =	smul.u32 $0x3, s5;
	s9 =	sadd.s32 $0xFFFFE000, s7;
	s8 =	sor.u32 s10, s8  }
0x53: {  	s29 =	sadd.s32 $0xFFFFF000, s7;
	s10 =	sshrl.u32 s8, $0x3;
	s28 =	sadd.s32 $0x780000, s8  }
0x54: {  	s8 =	sadd.s32 $0xF00000, s8;
	s10 =	sadd.s32 s6, s10;
	s11 =	sshrl.u32 s28, $0x3  }
0x55: {  	[tilespmem:s9], [sflag:$0x1] =	stream.linear.gather [hbm4b:s10+s4], $0x80, $0x38;
	[tilespmem:$0x3A10] =	vst v63  }
0x56: {  	p0 =	sne.s32 s5, $0x1;
	s8 =	sshrl.u32 s8, $0x3;
	s30 =	sadd.s32 s6, s11  }
0x57: {  	[tilespmem:s29], [sflag:$0x1] =	stream.linear.gather [hbm4b:s30+s4], $0x80, $0x38;
	[tilespmem:$0x3A10] =	vst v63  }
.Ltmp3:
0x58: {  	s31 =	sadd.s32 s6, s8;
	(pc) =	sbr.rel @!p0 .LBB2_7-.Ltmp3, $4  }
0x59: {  	[tilespmem:s7], [sflag:$0x1] =	stream.linear.gather [hbm4b:s31+s4], $0x80, $0x38;
	[tilespmem:$0x3A10] =	vst v63  }
0x5a: {  	s4 =	simm.s32 $0x1  }
0x5b: {  	_ =	swait.ge [sflag:s4], $0x80  }
0x5c: {  	s5 =	sadd.s32 $0xFFFFFFFF, s5;
	[sflag:s4] =	ssyncset.done $0x0  }
.LBB2_6:
0x5d: {  	p0 =	sne.s32 s5, $0x1;
	s5 =	sadd.s32 $0xFFFFFFFF, s5;
	[sflag:s4] =	ssyncadd.s32 $0xFFFFFF80  }
.Ltmp4:
0x5e: {  	(pc) =	sbr.rel @p0 .LBB2_6-.Ltmp4, $3  }
0x5f: {  	_ =	sdelay $0x1  }
0x60: {  	_ =	swait.ge [sflag:s4], $0x80  }
0x61: {  	[sflag:s4] =	ssyncset.done $0x0  }
.LBB2_7:
0x62: {  	v13 =	vlaneseq.u32  }
0x63: {  	v14 =	vmul.u32 $0x80, v13  }
0x64: {  	v15 =	vand.u32 $0x7F, v2  }
0x65: {  	v16 =	vor.u32 v14, v15;
	v17 =	vor.u32 $0x1000, v14  }
0x66: {  	v49 =	vand.u32 $0x7F, v11;
	v20 =	vor.u32 $0x1800, v14;
	v17 =	vor.u32 v17, v15  }
0x67: {  	v18 =	vor.u32 $0x2000, v14;
	v20 =	vor.u32 v20, v49  }
0x68: {  	v19 =	vor.u32 $0x800, v14;
	v15 =	vor.u32 v18, v15  }
0x69: {  	[sflag:s4] =	ssyncadd.s32 $0xFFFFFF80;
	s30 =	simm.s32 $0x800;
	v14 =	vor.u32 $0x2800, v14;
	v19 =	vor.u32 v19, v49  }
0x6a: {  	v14 =	vor.u32 v14, v49;
	v16 =	vld.idx.msk [tilespmem:v16+s30+$0x0], $0xffff  }
0x6b: {  	v17 =	vld.idx.msk [tilespmem:v17+s30+$0x0], $0xffff  }
0x6c: {  	v51 =	vld.idx.msk [tilespmem:v20+s30+$0x0], $0xffff  }
0x6d: {  	v15 =	vld.idx.msk [tilespmem:v15+s30+$0x0], $0xffff  }
0x6e: {  	v5 =	vcvt.s32.f32 v5;
	v50 =	vld.idx.msk [tilespmem:v19+s30+$0x0], $0xffff  }
0x6f: {  	v6 =	vcvt.s32.f32 v6;
	v55 =	vcvt.s32.f32 v12;
	v14 =	vld.idx.msk [tilespmem:v14+s30+$0x0], $0xffff  }
0x70: {  	v56 =	vcvt.s32.f32 v2;
	v52 =	vld [tilespmem:$0x720];
	v5 =	vadd.f32 v5, v16  }
0x71: {  	v54 =	vcvt.s32.f32 v10;
	v53 =	vld [tilespmem:$0x730];
	v6 =	vadd.f32 v6, v17;
	v10 =	vadd.f32 v55, v51  }
0x72: {  	v57 =	vcvt.s32.f32 v11;
	v2 =	vadd.f32 v56, v15;
	v3 =	vsub.f32 v5, v3  }
0x73: {  	v58 =	vld [tilespmem:$0x740];
	v5 =	vadd.f32 v54, v50;
	v4 =	vsub.f32 v6, v4  }
0x74: {  	v6 =	vadd.f32 v57, v14;
	v59 =	vsub.f32 v10, v8  }
0x75: {  	v1 =	vsub.f32 v2, v1;
	v5 =	vsub.f32 v5, v7  }
0x76: {  	v3 =	vmul.f32 v3, v52;
	v4 =	vmul.f32 v4, v53;
	v60 =	vsub.f32 v6, v9  }
0x77: {  	v61 =	vmul.f32 v59, v53;
	v5 =	vmul.f32 v5, v52  }
0x78: {  	v1 =	vmul.f32 v1, v58;
	v2 =	vmul.f32 v60, v58  }
0x79: {  	v6 =	vmul.f32 v61, v61;
	v5 =	vmul.f32 v5, v5  }
0x7a: {  	v3 =	vmul.f32 v3, v3;
	v4 =	vmul.f32 v4, v4  }
0x7b: {  	v2 =	vmul.f32 v2, v2;
	v5 =	vadd.f32 v6, v5  }
0x7c: {  	v1 =	vmul.f32 v1, v1;
	v3 =	vadd.f32 v4, v3  }
0x7d: {  	v2 =	vadd.f32 v2, v5  }
0x7e: {  	vm0 =	vlt.u32 v0, $0x12C;
	v62 =	vadd.f32 v1, v3  }
0x7f: {  	v63 =	vnsel vm0, $0x0, v2  }
0x80: {  	v0 =	vadd.f32 v63, v62  }
0x81: {  	s31 =	sshll.u32 s3, $0x4  }
0x82: {  	s5 =	simm.s32 $0x3800;
	s4 =	sadd.s32 s31, s2;
	[tilespmem:$0x3800] =	vst v0  }
0x83: {  	[spmem:s4] =	stream.linear.scatter [tilespmem:s5], [sflag:$0x2], $0x10, $0x38;
	[tilespmem:$0x3A10] =	vst v63  }
0x84: {  	s4 =	simm.s32 $0x2  }
0x85: {  	_ =	swait.ge [sflag:s4], $0x10  }
0x86: {  	[sflag:s4] =	ssyncset.done $0x0  }
0x87: {  	[sflag:s4] =	ssyncadd.s32 $0xFFFFFFF0  }
0x88: {  	p0 =	sne.s32 s3, $0x0;
	[bflag:$0x0] =	sbarrier.arrive $0xFFFF  }
0x89: {  	_ =	sfence.sel @p0 $0x180000  }
0x8a: {  	[bflag:$0x0] =	sbarrier.arrive @p0 $0xFFFF  }
0x8b: {  	_ =	strace @p0 $0x90000047  }
0x8c: {  	[bflag:$0x2] =	sbarrier.arrive @p0 $0xFFFF  }
0x8d: {  	_ =	shalt @p0  }
.LBB2_8:
0x8e: {  	s5 =	simm.s32 $0x0  }
0x8f: {  	s3 =	simm.s32 $0x3880;
	v1 =	vor.u32 s5, v13  }
0x90: {  	[tilespmem:s3], [sflag:$0x2] =	stream.linear.gather [spmem:s2], $0x100, $0x38;
	[tilespmem:$0x3A10] =	vst v63  }
0x91: {  	_ =	swait.ge [sflag:s4], $0x100  }
0x92: {  	[sflag:s4] =	ssyncset.done $0x0  }
0x93: {  	[sflag:s4] =	ssyncadd.s32 $0xFFFFFF00  }
0x94: {  	v0 =	vimm.f32 $0.0e+00;
	s2 =	simm.s32 $0x10;
	v1 =	vld.idx.msk [tilespmem:v1+s3+$0x0], $0xffff  }
.LBB2_9:
0x95: {  	v2 =	vor.u32 s2, v13;
	p0 =	sne.s32 s2, $0xF0;
	s2 =	sadd.s32 $0x10, s2  }
.Ltmp5:
0x96: {  	(pc) =	sbr.rel @p0 .LBB2_9-.Ltmp5, $2  }
0x97: {  	_ =	sdelay $0x2  }
0x98: {  	v0 =	vadd.f32 v1, v0;
	v1 =	vld.idx.msk [tilespmem:v2+s3+$0x0], $0xffff  }
0x99: {  	_ =	sdelay $0x3  }
0x9a: {  	v0 =	vadd.f32 v1, v0;
	_ =	sdelay $0x1  }
0x9b: {  	(v2sf) =	vpush v0, $0x0  }
0x9c: {  	(v2sf) =	vpush v0, $0x1;
	_ =	sdelay $0x1  }
0x9d: {  	(v2sf) =	vpush v0, $0x2;
	_ =	sdelay $0x1  }
0x9e: {  	(v2sf) =	vpush v0, $0x3;
	_ =	sdelay $0x1  }
0x9f: {  	(v2sf) =	vpush v0, $0x4;
	_ =	sdelay $0x1  }
0xa0: {  	(v2sf) =	vpush v0, $0x5;
	_ =	sdelay $0x1  }
0xa1: {  	(v2sf) =	vpush v0, $0x6;
	_ =	sdelay $0x1  }
0xa2: {  	(v2sf) =	vpush v0, $0x7;
	_ =	sdelay $0x1  }
0xa3: {  	s2 =	spop (v2sf);
	(v2sf) =	vpush v0, $0x8  }
0xa4: {  	s3 =	spop (v2sf)  }
0xa5: {  	(v2sf) =	vpush v0, $0x9;
	s2 =	sadd.f32 s3, s2  }
0xa6: {  	s14 =	spop (v2sf)  }
0xa7: {  	(v2sf) =	vpush v0, $0xA;
	s2 =	sadd.f32 s2, s14  }
0xa8: {  	s15 =	spop (v2sf)  }
0xa9: {  	(v2sf) =	vpush v0, $0xB;
	s2 =	sadd.f32 s2, s15  }
0xaa: {  	s16 =	spop (v2sf)  }
0xab: {  	(v2sf) =	vpush v0, $0xC;
	s2 =	sadd.f32 s2, s16  }
0xac: {  	s17 =	spop (v2sf)  }
0xad: {  	(v2sf) =	vpush v0, $0xD;
	s2 =	sadd.f32 s2, s17  }
0xae: {  	s18 =	spop (v2sf)  }
0xaf: {  	(v2sf) =	vpush v0, $0xE;
	s2 =	sadd.f32 s2, s18  }
0xb0: {  	s19 =	spop (v2sf)  }
0xb1: {  	(v2sf) =	vpush v0, $0xF;
	s2 =	sadd.f32 s2, s19  }
0xb2: {  	s20 =	spop (v2sf)  }
0xb3: {  	s2 =	sadd.f32 s2, s20  }
0xb4: {  	s21 =	spop (v2sf)  }
0xb5: {  	s2 =	sadd.f32 s2, s21  }
0xb6: {  	s22 =	spop (v2sf)  }
0xb7: {  	s2 =	sadd.f32 s2, s22  }
0xb8: {  	s23 =	spop (v2sf)  }
0xb9: {  	s2 =	sadd.f32 s2, s23  }
0xba: {  	s24 =	spop (v2sf)  }
0xbb: {  	s2 =	sadd.f32 s2, s24  }
0xbc: {  	s25 =	spop (v2sf)  }
0xbd: {  	s2 =	sadd.f32 s2, s25  }
0xbe: {  	s26 =	spop (v2sf)  }
0xbf: {  	s2 =	sadd.f32 s2, s26  }
0xc0: {  	s28 =	spop (v2sf)  }
0xc1: {  	s2 =	sadd.f32 s2, s28;
	_ =	sdelay $0x1  }
0xc2: {  	s2 =	smul.f32 $3.333333410e-03, s2;
	_ =	sdelay $0x1  }
0xc3: {  	v63 =	vmov s2  }
0xc4: {  	s29 =	simm.s32 $0x0;
	s30 =	simm.s32 $0x3980;
	s31 =	simm.s32 $0x2;
	[tilespmem:$0x3980] =	vst v63  }
0xc5: {  	[hbm4b:s1+s29] =	stream.linear.scatter [tilespmem:s30], [sflag:$0x2], $0x80, $0x38;
	[tilespmem:$0x3A10] =	vst v63  }
0xc6: {  	_ =	swait.ge [sflag:s31], $0x80  }
0xc7: {  	[sflag:s31] =	ssyncset.done $0x0  }
0xc8: {  	[sflag:s31] =	ssyncadd.s32 $0xFFFFFF80  }
0xc9: {  	_ =	sfence.sel $0x180000  }
0xca: {  	[bflag:$0x0] =	sbarrier.arrive $0xFFFF  }
0xcb: {  	_ =	strace $0x90000047  }
0xcc: {  	s0 =	sadd.s32 $0x100000, s0;
	[bflag:$0x2] =	sbarrier.arrive $0xFFFF  }
0xcd: {  	[sflag:s0] =	ssyncadd.tile.s32 $0x1;
	_ =	shalt  }
.LBB2_1:
.Ltmp6:
0xce: {  	(pc) =	sbr.rel .LBB2_5-.Ltmp6, $2  }
0xcf: {  	_ =	sdelay $0x2  }
0xd0: {  	s9 =	simm.s32 $0x2800  }
.LBB2_3:
.Ltmp7:
0xd1: {  	(pc) =	sbr.rel .LBB2_5-.Ltmp7, $2  }
0xd2: {  	_ =	sdelay $0x2  }
0xd3: {  	s9 =	simm.s32 $0x2800;
	s11 =	simm.s32 $0x2800  }
.Lfunc_end2:
_tile_overlayer_lowered:
.L_overlay_start_2:
0xd4: {  	(tag) =	ssettag $0x2  }
0xd5: {  	s0 =	rddreg [dreg:$0x0];
	s2 =	stileid.u32  }
0xd6: {  	s1 =	rddreg [dreg:$0x1];
	p0 =	sne.s32 s2, $0x0  }
0xd7: {  	s3 =	rddreg [dreg:$0x2];
	[bflag:$0x3] =	sbarrier.arrive $0xFFFF;
	s2 =	simm.s32 @!p0 $0x1C02  }
0xd8: {  	[timem:s3], [sflag:s2] =	dma.local @!p0 [hbm:s0], s1  }
0xd9: {  	s0 =	simm.s32 @!p0 $0x2  }
0xda: {  	_ =	swait.ge @!p0 [sflag:s0], s1  }
0xdb: {  	s1 =	ssub.s32 @!p0 $0x0, s1;
	[sflag:s0] =	ssyncset.done @!p0 $0x0  }
0xdc: {  	[sflag:s0] =	ssyncadd.s32 @!p0 s1  }
0xdd: {  	[bflag:$0x3] =	sbarrier.arrive $0xFFFF  }
0xde: {  	_ =	shalt  }

</sc_bundles>
